<compile_context>
chip_gen: v7x
topology: tpu7x:2x2x1
jax: 0.10.2.dev20260603
libtpu: 0.0.44.dev20260713+nightly
codegen_flags: <defaults>
</compile_context>

<pallas_src>
import functools

import jax
import jax.numpy as jnp
from jax import lax
from jax.experimental import pallas as pl
from jax.experimental.pallas import tpu as pltpu
from jax.experimental.pallas import tpu_sc as plsc

WIN = 256
NUM_HEADS = 16
TABLE_ROWS = 961
NUM_WORKERS = 32
ROWS_PER_WORKER = WIN // NUM_WORKERS
LANES = 16


def _sc_gather_body(table_hbm, idx_hbm, out_hbm, idx_v, table_v, out_v,
                    sem_idx, sem_tab, sem_out):
    wid = lax.axis_index("s") * 2 + lax.axis_index("c")
    row0 = wid * ROWS_PER_WORKER
    cp_idx = pltpu.async_copy(
        idx_hbm.at[pl.ds(row0, ROWS_PER_WORKER)], idx_v, sem_idx)
    cp_tab = pltpu.async_copy(table_hbm, table_v, sem_tab)
    cp_idx.wait()
    cp_tab.wait()

    groups_per_row = WIN // LANES

    def group(g):
        r = g // groups_per_row
        c = (g % groups_per_row) * LANES
        iv = idx_v[r, pl.ds(c, LANES)]
        vals = [plsc.load_gather(table_v, [iv + h * TABLE_ROWS])
                for h in range(NUM_HEADS)]
        for h in range(NUM_HEADS):
            out_v[h, r, pl.ds(c, LANES)] = vals[h]

    ngroups = ROWS_PER_WORKER * groups_per_row
    half_rows = ROWS_PER_WORKER // 2
    plsc.parallel_loop(0, ngroups // 2, unroll=2)(group)
    cp_out = pltpu.async_copy(
        out_v.at[:, pl.ds(0, half_rows)],
        out_hbm.at[:, pl.ds(row0, half_rows)], sem_out)
    plsc.parallel_loop(ngroups // 2, ngroups, unroll=2)(group)
    cp_out.wait()
    pltpu.sync_copy(out_v.at[:, pl.ds(half_rows, half_rows)],
                    out_hbm.at[:, pl.ds(row0 + half_rows, half_rows)])


_sc_gather = functools.partial(
    pl.kernel,
    out_type=jax.ShapeDtypeStruct((NUM_HEADS, WIN, WIN), jnp.float32),
    mesh=plsc.VectorSubcoreMesh(core_axis_name="c", subcore_axis_name="s"),
    compiler_params=pltpu.CompilerParams(needs_layout_passes=False),
    scratch_types=[
        pltpu.VMEM((ROWS_PER_WORKER, WIN), jnp.int32),
        pltpu.VMEM((TABLE_ROWS * NUM_HEADS,), jnp.float32),
        pltpu.VMEM((NUM_HEADS, ROWS_PER_WORKER, WIN), jnp.float32),
        pltpu.SemaphoreType.DMA,
        pltpu.SemaphoreType.DMA,
        pltpu.SemaphoreType.DMA,
    ],
)(_sc_gather_body)


def _add_body(x_ref, b_ref, o_ref):
    o_ref[...] = x_ref[...] + b_ref[...]


def kernel(x, relative_position_bias_table, relative_position_index):
    batch, heads, area, _ = x.shape
    idx32 = relative_position_index.astype(jnp.int32)
    bias_t = _sc_gather(relative_position_bias_table.T.reshape(-1), idx32)

    bb = 2
    out = pl.pallas_call(
        _add_body,
        grid=(batch // bb,),
        in_specs=[
            pl.BlockSpec((bb, heads, area, area), lambda b: (b, 0, 0, 0)),
            pl.BlockSpec((heads, area, area), lambda b: (0, 0, 0)),
        ],
        out_specs=pl.BlockSpec((bb, heads, area, area), lambda b: (b, 0, 0, 0)),
        out_shape=jax.ShapeDtypeStruct(x.shape, x.dtype),
    )(x, bias_t)
    return out

# --- scband reference (transcript-rebuilt; emitter-appended) ---
"""Pipeline reference for scband-rel-pos-bias-73332271612198 (READ-ONLY COPY).

The authoritative reference and input builder live on the scoring server;
editing this copy changes nothing except your own understanding.
"""

import jax, jax.numpy as jnp
import numpy as np

WIN_H, WIN_W = 16, 16
NUM_HEADS = 16
BATCH = 64


def _get_relative_position_index(win_h, win_w):
    coords = np.stack(np.meshgrid(np.arange(win_h), np.arange(win_w), indexing='ij'))
    coords_flatten = coords.reshape(2, -1)
    relative_coords = coords_flatten[:, :, None] - coords_flatten[:, None, :]
    relative_coords = relative_coords.transpose(1, 2, 0).copy()
    relative_coords[:, :, 0] += win_h - 1
    relative_coords[:, :, 1] += win_w - 1
    relative_coords[:, :, 0] *= 2 * win_w - 1
    return relative_coords.sum(-1)


def setup_inputs(seed: int = 0) -> dict:
    key = jax.random.key(seed)
    k1, k2 = jax.random.split(key)
    attn_area = WIN_H * WIN_W
    x = jax.random.normal(k1, (BATCH, NUM_HEADS, attn_area, attn_area), dtype=jnp.float32)
    table_size = (2 * WIN_H - 1) * (2 * WIN_W - 1)
    # trunc_normal_(std=0.02) approximated with normal * 0.02
    relative_position_bias_table = jax.random.normal(k2, (table_size, NUM_HEADS), dtype=jnp.float32) * 0.02
    relative_position_index = jnp.asarray(_get_relative_position_index(WIN_H, WIN_W), dtype=jnp.int64)
    return {
        'x': x,
        'relative_position_bias_table': relative_position_bias_table,
        'relative_position_index': relative_position_index,
    }


def reference(x, relative_position_bias_table, relative_position_index):
    attn_area = relative_position_index.shape[0]
    bias = jnp.take(relative_position_bias_table, relative_position_index.reshape(-1), axis=0)
    bias = bias.reshape(attn_area, attn_area, -1)
    bias = jnp.transpose(bias, (2, 0, 1))[None]
    return bias + x

if __name__ == "__main__":
    import jax
    _d = setup_inputs()
    print(jax.jit(kernel)(*tuple(_d.values())))

</pallas_src>

<mosaic_0001>
#map = affine_map<(d0, d1) -> (0)>
#map1 = affine_map<(d0, d1) -> (0, 0)>
#map2 = affine_map<(d0, d1) -> (0, 0, 0)>
module attributes {stable_mosaic.version = 14 : i64} {
  func.func @_sc_gather_body(%arg0: i32, %arg1: i32, %arg2: memref<15376xf32, #tpu.memory_space<hbm>>, %arg3: memref<256x256xi32, #tpu.memory_space<hbm>>, %arg4: memref<16x256x256xf32, #tpu.memory_space<hbm>>, %arg5: memref<8x256xi32, #tpu.memory_space<vmem>>, %arg6: memref<15376xf32, #tpu.memory_space<vmem>>, %arg7: memref<16x8x256xf32, #tpu.memory_space<vmem>>, %arg8: memref<!tpu.dma_semaphore, #tpu.memory_space<semaphore_mem>>, %arg9: memref<!tpu.dma_semaphore, #tpu.memory_space<semaphore_mem>>, %arg10: memref<!tpu.dma_semaphore, #tpu.memory_space<semaphore_mem>>) attributes {dimension_semantics = [#tpu.dimension_semantics<core_parallel>, #tpu.dimension_semantics<subcore_parallel>], iteration_bounds = array<i64: 2, 16>, scalar_prefetch = 0 : i64, scratch_operands = 6 : i64, tpu.core_type = #tpu.core_type<sc_vector_subcore>, window_params = [{transform_indices = #map}, {transform_indices = #map1}, {transform_indices = #map2}]} {
    %mul3A = arith.constant 2 : i32
    %mul3A_0 = arith.muli %arg1, %mul3A : i32
    %add3A = arith.addi %mul3A_0, %arg0 : i32
    %mul3A_1 = arith.constant 8 : i32
    %mul3A_2 = arith.muli %add3A, %mul3A_1 : i32
    %dma_start3A = arith.constant 0 : i32
    %dma_start3A_3 = tpu.memref_slice %arg3[%mul3A_2, %dma_start3A] : memref<256x256xi32, #tpu.memory_space<hbm>> -> memref<8x256xi32, #tpu.memory_space<hbm>>
    %dma_start3A_4 = arith.constant 0 : i32
    %dma_start3A_5 = tpu.memref_slice %arg3[%mul3A_2, %dma_start3A_4] : memref<256x256xi32, #tpu.memory_space<hbm>> -> memref<8x256xi32, #tpu.memory_space<hbm>>
    tpu.enqueue_dma source(%dma_start3A_5 : memref<8x256xi32, #tpu.memory_space<hbm>>) target(%arg5 : memref<8x256xi32, #tpu.memory_space<vmem>>) target_semaphore(%arg8 : memref<!tpu.dma_semaphore, #tpu.memory_space<semaphore_mem>>)
    tpu.enqueue_dma source(%arg2 : memref<15376xf32, #tpu.memory_space<hbm>>) target(%arg6 : memref<15376xf32, #tpu.memory_space<vmem>>) target_semaphore(%arg9 : memref<!tpu.dma_semaphore, #tpu.memory_space<semaphore_mem>>)
    %dma_wait3A = arith.constant 0 : i32
    %dma_wait3A_6 = tpu.memref_slice %arg3[%mul3A_2, %dma_wait3A] : memref<256x256xi32, #tpu.memory_space<hbm>> -> memref<8x256xi32, #tpu.memory_space<hbm>>
    %dma_wait3A_7 = arith.constant 0 : i32
    %dma_wait3A_8 = tpu.memref_slice %arg3[%mul3A_2, %dma_wait3A_7] : memref<256x256xi32, #tpu.memory_space<hbm>> -> memref<8x256xi32, #tpu.memory_space<hbm>>
    tpu.wait_dma2 semaphore(%arg8 : memref<!tpu.dma_semaphore, #tpu.memory_space<semaphore_mem>>) src(%dma_wait3A_8 : memref<8x256xi32, #tpu.memory_space<hbm>>) dst(%arg5 : memref<8x256xi32, #tpu.memory_space<vmem>>)
    tpu.wait_dma2 semaphore(%arg9 : memref<!tpu.dma_semaphore, #tpu.memory_space<semaphore_mem>>) src(%arg2 : memref<15376xf32, #tpu.memory_space<hbm>>) dst(%arg6 : memref<15376xf32, #tpu.memory_space<vmem>>)
    %parallel_loop3A = arith.constant 0 : i32
    %parallel_loop3A_9 = arith.constant 64 : i32
    %parallel_loop3A_10 = arith.constant 1 : i32
    scf.for %parallel_loop3A_44 = %parallel_loop3A to %parallel_loop3A_9 step %parallel_loop3A_10  : i32 {
      %parallel_loop3A_45 = arith.constant 16 : i32
      %parallel_loop3A_46 = arith.divsi %parallel_loop3A_44, %parallel_loop3A_45 : i32
      %parallel_loop3A_47 = arith.constant 0 : i32
      %parallel_loop3A_48 = arith.cmpi sgt, %parallel_loop3A_44, %parallel_loop3A_47 : i32
      %parallel_loop3A_49 = arith.extui %parallel_loop3A_48 : i1 to i32
      %parallel_loop3A_50 = arith.constant 0 : i32
      %parallel_loop3A_51 = arith.cmpi slt, %parallel_loop3A_44, %parallel_loop3A_50 : i32
      %parallel_loop3A_52 = arith.extui %parallel_loop3A_51 : i1 to i32
      %parallel_loop3A_53 = arith.subi %parallel_loop3A_49, %parallel_loop3A_52 : i32
      %parallel_loop3A_54 = arith.constant 0 : i32
      %parallel_loop3A_55 = arith.cmpi sgt, %parallel_loop3A_45, %parallel_loop3A_54 : i32
      %parallel_loop3A_56 = arith.extui %parallel_loop3A_55 : i1 to i32
      %parallel_loop3A_57 = arith.constant 0 : i32
      %parallel_loop3A_58 = arith.cmpi slt, %parallel_loop3A_45, %parallel_loop3A_57 : i32
      %parallel_loop3A_59 = arith.extui %parallel_loop3A_58 : i1 to i32
      %parallel_loop3A_60 = arith.subi %parallel_loop3A_56, %parallel_loop3A_59 : i32
      %parallel_loop3A_61 = arith.cmpi ne, %parallel_loop3A_53, %parallel_loop3A_60 : i32
      %parallel_loop3A_62 = arith.remsi %parallel_loop3A_44, %parallel_loop3A_45 : i32
      %parallel_loop3A_63 = arith.constant 0 : i32
      %parallel_loop3A_64 = arith.cmpi ne, %parallel_loop3A_62, %parallel_loop3A_63 : i32
      %parallel_loop3A_65 = arith.andi %parallel_loop3A_61, %parallel_loop3A_64 : i1
      %parallel_loop3A_66 = arith.constant 1 : i32
      %parallel_loop3A_67 = arith.subi %parallel_loop3A_46, %parallel_loop3A_66 : i32
      %parallel_loop3A_68 = arith.select %parallel_loop3A_65, %parallel_loop3A_67, %parallel_loop3A_46 : i32
      %parallel_loop3A_69 = arith.constant 16 : i32
      %parallel_loop3A_70 = arith.constant 0 : i32
      %parallel_loop3A_71 = arith.cmpi eq, %parallel_loop3A_69, %parallel_loop3A_70 : i32
      %parallel_loop3A_72 = arith.constant 1 : i32
      %parallel_loop3A_73 = arith.select %parallel_loop3A_71, %parallel_loop3A_72, %parallel_loop3A_69 : i32
      %parallel_loop3A_74 = arith.remsi %parallel_loop3A_44, %parallel_loop3A_73 : i32
      %parallel_loop3A_75 = arith.constant 0 : i32
      %parallel_loop3A_76 = arith.cmpi ne, %parallel_loop3A_74, %parallel_loop3A_75 : i32
      %parallel_loop3A_77 = arith.constant 0 : i32
      %parallel_loop3A_78 = arith.cmpi slt, %parallel_loop3A_74, %parallel_loop3A_77 : i32
      %parallel_loop3A_79 = arith.constant 0 : i32
      %parallel_loop3A_80 = arith.cmpi slt, %parallel_loop3A_73, %parallel_loop3A_79 : i32
      %parallel_loop3A_81 = arith.xori %parallel_loop3A_78, %parallel_loop3A_80 : i1
      %parallel_loop3A_82 = arith.andi %parallel_loop3A_81, %parallel_loop3A_76 : i1
      %parallel_loop3A_83 = arith.addi %parallel_loop3A_74, %parallel_loop3A_73 : i32
      %parallel_loop3A_84 = arith.select %parallel_loop3A_82, %parallel_loop3A_83, %parallel_loop3A_74 : i32
      %parallel_loop3A_85 = arith.constant 16 : i32
      %parallel_loop3A_86 = arith.muli %parallel_loop3A_84, %parallel_loop3A_85 : i32
      %parallel_loop3A_87 = arith.index_cast %parallel_loop3A_68 : i32 to index
      %parallel_loop3A_88 = arith.index_cast %parallel_loop3A_86 : i32 to index
      %parallel_loop3A_89 = tpu.vector_load %arg5[%parallel_loop3A_87, %parallel_loop3A_88] {strides = array<i32>} : memref<8x256xi32, #tpu.memory_space<vmem>>, vector<16xi32>,
      %parallel_loop3A_90 = arith.constant 0 : i32
      %parallel_loop3A_91 = vector.broadcast %parallel_loop3A_90 : i32 to vector<16xi32>
      %parallel_loop3A_92 = arith.addi %parallel_loop3A_89, %parallel_loop3A_91 : vector<16xi32>
      %parallel_loop3A_93 = tpu.vector_load_idx %arg6[%parallel_loop3A_92] : memref<15376xf32, #tpu.memory_space<vmem>>[vector<16xi32>], vector<16xf32>,
      %parallel_loop3A_94 = arith.constant 961 : i32
      %parallel_loop3A_95 = vector.broadcast %parallel_loop3A_94 : i32 to vector<16xi32>
      %parallel_loop3A_96 = arith.addi %parallel_loop3A_89, %parallel_loop3A_95 : vector<16xi32>
      %parallel_loop3A_97 = tpu.vector_load_idx %arg6[%parallel_loop3A_96] : memref<15376xf32, #tpu.memory_space<vmem>>[vector<16xi32>], vector<16xf32>,
      %parallel_loop3A_98 = arith.constant 1922 : i32
      %parallel_loop3A_99 = vector.broadcast %parallel_loop3A_98 : i32 to vector<16xi32>
      %parallel_loop3A_100 = arith.addi %parallel_loop3A_89, %parallel_loop3A_99 : vector<16xi32>
      %parallel_loop3A_101 = tpu.vector_load_idx %arg6[%parallel_loop3A_100] : memref<15376xf32, #tpu.memory_space<vmem>>[vector<16xi32>], vector<16xf32>,
      %parallel_loop3A_102 = arith.constant 2883 : i32
      %parallel_loop3A_103 = vector.broadcast %parallel_loop3A_102 : i32 to vector<16xi32>
      %parallel_loop3A_104 = arith.addi %parallel_loop3A_89, %parallel_loop3A_103 : vector<16xi32>
      %parallel_loop3A_105 = tpu.vector_load_idx %arg6[%parallel_loop3A_104] : memref<15376xf32, #tpu.memory_space<vmem>>[vector<16xi32>], vector<16xf32>,
      %parallel_loop3A_106 = arith.constant 3844 : i32
      %parallel_loop3A_107 = vector.broadcast %parallel_loop3A_106 : i32 to vector<16xi32>
      %parallel_loop3A_108 = arith.addi %parallel_loop3A_89, %parallel_loop3A_107 : vector<16xi32>
      %parallel_loop3A_109 = tpu.vector_load_idx %arg6[%parallel_loop3A_108] : memref<15376xf32, #tpu.memory_space<vmem>>[vector<16xi32>], vector<16xf32>,
      %parallel_loop3A_110 = arith.constant 4805 : i32
      %parallel_loop3A_111 = vector.broadcast %parallel_loop3A_110 : i32 to vector<16xi32>
      %parallel_loop3A_112 = arith.addi %parallel_loop3A_89, %parallel_loop3A_111 : vector<16xi32>
      %parallel_loop3A_113 = tpu.vector_load_idx %arg6[%parallel_loop3A_112] : memref<15376xf32, #tpu.memory_space<vmem>>[vector<16xi32>], vector<16xf32>,
      %parallel_loop3A_114 = arith.constant 5766 : i32
      %parallel_loop3A_115 = vector.broadcast %parallel_loop3A_114 : i32 to vector<16xi32>
      %parallel_loop3A_116 = arith.addi %parallel_loop3A_89, %parallel_loop3A_115 : vector<16xi32>
      %parallel_loop3A_117 = tpu.vector_load_idx %arg6[%parallel_loop3A_116] : memref<15376xf32, #tpu.memory_space<vmem>>[vector<16xi32>], vector<16xf32>,
      %parallel_loop3A_118 = arith.constant 6727 : i32
      %parallel_loop3A_119 = vector.broadcast %parallel_loop3A_118 : i32 to vector<16xi32>
      %parallel_loop3A_120 = arith.addi %parallel_loop3A_89, %parallel_loop3A_119 : vector<16xi32>
      %parallel_loop3A_121 = tpu.vector_load_idx %arg6[%parallel_loop3A_120] : memref<15376xf32, #tpu.memory_space<vmem>>[vector<16xi32>], vector<16xf32>,
      %parallel_loop3A_122 = arith.constant 7688 : i32
      %parallel_loop3A_123 = vector.broadcast %parallel_loop3A_122 : i32 to vector<16xi32>
      %parallel_loop3A_124 = arith.addi %parallel_loop3A_89, %parallel_loop3A_123 : vector<16xi32>
      %parallel_loop3A_125 = tpu.vector_load_idx %arg6[%parallel_loop3A_124] : memref<15376xf32, #tpu.memory_space<vmem>>[vector<16xi32>], vector<16xf32>,
      %parallel_loop3A_126 = arith.constant 8649 : i32
      %parallel_loop3A_127 = vector.broadcast %parallel_loop3A_126 : i32 to vector<16xi32>
      %parallel_loop3A_128 = arith.addi %parallel_loop3A_89, %parallel_loop3A_127 : vector<16xi32>
      %parallel_loop3A_129 = tpu.vector_load_idx %arg6[%parallel_loop3A_128] : memref<15376xf32, #tpu.memory_space<vmem>>[vector<16xi32>], vector<16xf32>,
      %parallel_loop3A_130 = arith.constant 9610 : i32
      %parallel_loop3A_131 = vector.broadcast %parallel_loop3A_130 : i32 to vector<16xi32>
      %parallel_loop3A_132 = arith.addi %parallel_loop3A_89, %parallel_loop3A_131 : vector<16xi32>
      %parallel_loop3A_133 = tpu.vector_load_idx %arg6[%parallel_loop3A_132] : memref<15376xf32, #tpu.memory_space<vmem>>[vector<16xi32>], vector<16xf32>,
      %parallel_loop3A_134 = arith.constant 10571 : i32
      %parallel_loop3A_135 = vector.broadcast %parallel_loop3A_134 : i32 to vector<16xi32>
      %parallel_loop3A_136 = arith.addi %parallel_loop3A_89, %parallel_loop3A_135 : vector<16xi32>
      %parallel_loop3A_137 = tpu.vector_load_idx %arg6[%parallel_loop3A_136] : memref<15376xf32, #tpu.memory_space<vmem>>[vector<16xi32>], vector<16xf32>,
      %parallel_loop3A_138 = arith.constant 11532 : i32
      %parallel_loop3A_139 = vector.broadcast %parallel_loop3A_138 : i32 to vector<16xi32>
      %parallel_loop3A_140 = arith.addi %parallel_loop3A_89, %parallel_loop3A_139 : vector<16xi32>
      %parallel_loop3A_141 = tpu.vector_load_idx %arg6[%parallel_loop3A_140] : memref<15376xf32, #tpu.memory_space<vmem>>[vector<16xi32>], vector<16xf32>,
      %parallel_loop3A_142 = arith.constant 12493 : i32
      %parallel_loop3A_143 = vector.broadcast %parallel_loop3A_142 : i32 to vector<16xi32>
      %parallel_loop3A_144 = arith.addi %parallel_loop3A_89, %parallel_loop3A_143 : vector<16xi32>
      %parallel_loop3A_145 = tpu.vector_load_idx %arg6[%parallel_loop3A_144] : memref<15376xf32, #tpu.memory_space<vmem>>[vector<16xi32>], vector<16xf32>,
      %parallel_loop3A_146 = arith.constant 13454 : i32
      %parallel_loop3A_147 = vector.broadcast %parallel_loop3A_146 : i32 to vector<16xi32>
      %parallel_loop3A_148 = arith.addi %parallel_loop3A_89, %parallel_loop3A_147 : vector<16xi32>
      %parallel_loop3A_149 = tpu.vector_load_idx %arg6[%parallel_loop3A_148] : memref<15376xf32, #tpu.memory_space<vmem>>[vector<16xi32>], vector<16xf32>,
      %parallel_loop3A_150 = arith.constant 14415 : i32
      %parallel_loop3A_151 = vector.broadcast %parallel_loop3A_150 : i32 to vector<16xi32>
      %parallel_loop3A_152 = arith.addi %parallel_loop3A_89, %parallel_loop3A_151 : vector<16xi32>
      %parallel_loop3A_153 = tpu.vector_load_idx %arg6[%parallel_loop3A_152] : memref<15376xf32, #tpu.memory_space<vmem>>[vector<16xi32>], vector<16xf32>,
      %parallel_loop3A_154 = arith.constant 0 : i32
      %parallel_loop3A_155 = arith.index_cast %parallel_loop3A_154 : i32 to index
      %parallel_loop3A_156 = arith.index_cast %parallel_loop3A_68 : i32 to index
      %parallel_loop3A_157 = arith.index_cast %parallel_loop3A_86 : i32 to index
      %parallel_loop3A_158 = tpu.vector_load %arg7[%parallel_loop3A_155, %parallel_loop3A_156, %parallel_loop3A_157] {strides = array<i32>} : memref<16x8x256xf32, #tpu.memory_space<vmem>>, vector<16xf32>,
      tpu.vector_store %arg7[%parallel_loop3A_155, %parallel_loop3A_156, %parallel_loop3A_157], %parallel_loop3A_93 {strides = array<i32>} : memref<16x8x256xf32, #tpu.memory_space<vmem>>, vector<16xf32>,
      %parallel_loop3A_159 = arith.constant 1 : i32
      %parallel_loop3A_160 = arith.index_cast %parallel_loop3A_159 : i32 to index
      %parallel_loop3A_161 = arith.index_cast %parallel_loop3A_68 : i32 to index
      %parallel_loop3A_162 = arith.index_cast %parallel_loop3A_86 : i32 to index
      %parallel_loop3A_163 = tpu.vector_load %arg7[%parallel_loop3A_160, %parallel_loop3A_161, %parallel_loop3A_162] {strides = array<i32>} : memref<16x8x256xf32, #tpu.memory_space<vmem>>, vector<16xf32>,
      tpu.vector_store %arg7[%parallel_loop3A_160, %parallel_loop3A_161, %parallel_loop3A_162], %parallel_loop3A_97 {strides = array<i32>} : memref<16x8x256xf32, #tpu.memory_space<vmem>>, vector<16xf32>,
      %parallel_loop3A_164 = arith.constant 2 : i32
      %parallel_loop3A_165 = arith.index_cast %parallel_loop3A_164 : i32 to index
      %parallel_loop3A_166 = arith.index_cast %parallel_loop3A_68 : i32 to index
      %parallel_loop3A_167 = arith.index_cast %parallel_loop3A_86 : i32 to index
      %parallel_loop3A_168 = tpu.vector_load %arg7[%parallel_loop3A_165, %parallel_loop3A_166, %parallel_loop3A_167] {strides = array<i32>} : memref<16x8x256xf32, #tpu.memory_space<vmem>>, vector<16xf32>,
      tpu.vector_store %arg7[%parallel_loop3A_165, %parallel_loop3A_166, %parallel_loop3A_167], %parallel_loop3A_101 {strides = array<i32>} : memref<16x8x256xf32, #tpu.memory_space<vmem>>, vector<16xf32>,
      %parallel_loop3A_169 = arith.constant 3 : i32
      %parallel_loop3A_170 = arith.index_cast %parallel_loop3A_169 : i32 to index
      %parallel_loop3A_171 = arith.index_cast %parallel_loop3A_68 : i32 to index
      %parallel_loop3A_172 = arith.index_cast %parallel_loop3A_86 : i32 to index
      %parallel_loop3A_173 = tpu.vector_load %arg7[%parallel_loop3A_170, %parallel_loop3A_171, %parallel_loop3A_172] {strides = array<i32>} : memref<16x8x256xf32, #tpu.memory_space<vmem>>, vector<16xf32>,
      tpu.vector_store %arg7[%parallel_loop3A_170, %parallel_loop3A_171, %parallel_loop3A_172], %parallel_loop3A_105 {strides = array<i32>} : memref<16x8x256xf32, #tpu.memory_space<vmem>>, vector<16xf32>,
      %parallel_loop3A_174 = arith.constant 4 : i32
      %parallel_loop3A_175 = arith.index_cast %parallel_loop3A_174 : i32 to index
      %parallel_loop3A_176 = arith.index_cast %parallel_loop3A_68 : i32 to index
      %parallel_loop3A_177 = arith.index_cast %parallel_loop3A_86 : i32 to index
      %parallel_loop3A_178 = tpu.vector_load %arg7[%parallel_loop3A_175, %parallel_loop3A_176, %parallel_loop3A_177] {strides = array<i32>} : memref<16x8x256xf32, #tpu.memory_space<vmem>>, vector<16xf32>,
      tpu.vector_store %arg7[%parallel_loop3A_175, %parallel_loop3A_176, %parallel_loop3A_177], %parallel_loop3A_109 {strides = array<i32>} : memref<16x8x256xf32, #tpu.memory_space<vmem>>, vector<16xf32>,
      %parallel_loop3A_179 = arith.constant 5 : i32
      %parallel_loop3A_180 = arith.index_cast %parallel_loop3A_179 : i32 to index
      %parallel_loop3A_181 = arith.index_cast %parallel_loop3A_68 : i32 to index
      %parallel_loop3A_182 = arith.index_cast %parallel_loop3A_86 : i32 to index
      %parallel_loop3A_183 = tpu.vector_load %arg7[%parallel_loop3A_180, %parallel_loop3A_181, %parallel_loop3A_182] {strides = array<i32>} : memref<16x8x256xf32, #tpu.memory_space<vmem>>, vector<16xf32>,
      tpu.vector_store %arg7[%parallel_loop3A_180, %parallel_loop3A_181, %parallel_loop3A_182], %parallel_loop3A_113 {strides = array<i32>} : memref<16x8x256xf32, #tpu.memory_space<vmem>>, vector<16xf32>,
      %parallel_loop3A_184 = arith.constant 6 : i32
      %parallel_loop3A_185 = arith.index_cast %parallel_loop3A_184 : i32 to index
      %parallel_loop3A_186 = arith.index_cast %parallel_loop3A_68 : i32 to index
      %parallel_loop3A_187 = arith.index_cast %parallel_loop3A_86 : i32 to index
      %parallel_loop3A_188 = tpu.vector_load %arg7[%parallel_loop3A_185, %parallel_loop3A_186, %parallel_loop3A_187] {strides = array<i32>} : memref<16x8x256xf32, #tpu.memory_space<vmem>>, vector<16xf32>,
      tpu.vector_store %arg7[%parallel_loop3A_185, %parallel_loop3A_186, %parallel_loop3A_187], %parallel_loop3A_117 {strides = array<i32>} : memref<16x8x256xf32, #tpu.memory_space<vmem>>, vector<16xf32>,
      %parallel_loop3A_189 = arith.constant 7 : i32
      %parallel_loop3A_190 = arith.index_cast %parallel_loop3A_189 : i32 to index
      %parallel_loop3A_191 = arith.index_cast %parallel_loop3A_68 : i32 to index
      %parallel_loop3A_192 = arith.index_cast %parallel_loop3A_86 : i32 to index
      %parallel_loop3A_193 = tpu.vector_load %arg7[%parallel_loop3A_190, %parallel_loop3A_191, %parallel_loop3A_192] {strides = array<i32>} : memref<16x8x256xf32, #tpu.memory_space<vmem>>, vector<16xf32>,
      tpu.vector_store %arg7[%parallel_loop3A_190, %parallel_loop3A_191, %parallel_loop3A_192], %parallel_loop3A_121 {strides = array<i32>} : memref<16x8x256xf32, #tpu.memory_space<vmem>>, vector<16xf32>,
      %parallel_loop3A_194 = arith.constant 8 : i32
      %parallel_loop3A_195 = arith.index_cast %parallel_loop3A_194 : i32 to index
      %parallel_loop3A_196 = arith.index_cast %parallel_loop3A_68 : i32 to index
      %parallel_loop3A_197 = arith.index_cast %parallel_loop3A_86 : i32 to index
      %parallel_loop3A_198 = tpu.vector_load %arg7[%parallel_loop3A_195, %parallel_loop3A_196, %parallel_loop3A_197] {strides = array<i32>} : memref<16x8x256xf32, #tpu.memory_space<vmem>>, vector<16xf32>,
      tpu.vector_store %arg7[%parallel_loop3A_195, %parallel_loop3A_196, %parallel_loop3A_197], %parallel_loop3A_125 {strides = array<i32>} : memref<16x8x256xf32, #tpu.memory_space<vmem>>, vector<16xf32>,
      %parallel_loop3A_199 = arith.constant 9 : i32
      %parallel_loop3A_200 = arith.index_cast %parallel_loop3A_199 : i32 to index
      %parallel_loop3A_201 = arith.index_cast %parallel_loop3A_68 : i32 to index
      %parallel_loop3A_202 = arith.index_cast %parallel_loop3A_86 : i32 to index
      %parallel_loop3A_203 = tpu.vector_load %arg7[%parallel_loop3A_200, %parallel_loop3A_201, %parallel_loop3A_202] {strides = array<i32>} : memref<16x8x256xf32, #tpu.memory_space<vmem>>, vector<16xf32>,
      tpu.vector_store %arg7[%parallel_loop3A_200, %parallel_loop3A_201, %parallel_loop3A_202], %parallel_loop3A_129 {strides = array<i32>} : memref<16x8x256xf32, #tpu.memory_space<vmem>>, vector<16xf32>,
      %parallel_loop3A_204 = arith.constant 10 : i32
      %parallel_loop3A_205 = arith.index_cast %parallel_loop3A_204 : i32 to index
      %parallel_loop3A_206 = arith.index_cast %parallel_loop3A_68 : i32 to index
      %parallel_loop3A_207 = arith.index_cast %parallel_loop3A_86 : i32 to index
      %parallel_loop3A_208 = tpu.vector_load %arg7[%parallel_loop3A_205, %parallel_loop3A_206, %parallel_loop3A_207] {strides = array<i32>} : memref<16x8x256xf32, #tpu.memory_space<vmem>>, vector<16xf32>,
      tpu.vector_store %arg7[%parallel_loop3A_205, %parallel_loop3A_206, %parallel_loop3A_207], %parallel_loop3A_133 {strides = array<i32>} : memref<16x8x256xf32, #tpu.memory_space<vmem>>, vector<16xf32>,
      %parallel_loop3A_209 = arith.constant 11 : i32
      %parallel_loop3A_210 = arith.index_cast %parallel_loop3A_209 : i32 to index
      %parallel_loop3A_211 = arith.index_cast %parallel_loop3A_68 : i32 to index
      %parallel_loop3A_212 = arith.index_cast %parallel_loop3A_86 : i32 to index
      %parallel_loop3A_213 = tpu.vector_load %arg7[%parallel_loop3A_210, %parallel_loop3A_211, %parallel_loop3A_212] {strides = array<i32>} : memref<16x8x256xf32, #tpu.memory_space<vmem>>, vector<16xf32>,
      tpu.vector_store %arg7[%parallel_loop3A_210, %parallel_loop3A_211, %parallel_loop3A_212], %parallel_loop3A_137 {strides = array<i32>} : memref<16x8x256xf32, #tpu.memory_space<vmem>>, vector<16xf32>,
      %parallel_loop3A_214 = arith.constant 12 : i32
      %parallel_loop3A_215 = arith.index_cast %parallel_loop3A_214 : i32 to index
      %parallel_loop3A_216 = arith.index_cast %parallel_loop3A_68 : i32 to index
      %parallel_loop3A_217 = arith.index_cast %parallel_loop3A_86 : i32 to index
      %parallel_loop3A_218 = tpu.vector_load %arg7[%parallel_loop3A_215, %parallel_loop3A_216, %parallel_loop3A_217] {strides = array<i32>} : memref<16x8x256xf32, #tpu.memory_space<vmem>>, vector<16xf32>,
      tpu.vector_store %arg7[%parallel_loop3A_215, %parallel_loop3A_216, %parallel_loop3A_217], %parallel_loop3A_141 {strides = array<i32>} : memref<16x8x256xf32, #tpu.memory_space<vmem>>, vector<16xf32>,
      %parallel_loop3A_219 = arith.constant 13 : i32
      %parallel_loop3A_220 = arith.index_cast %parallel_loop3A_219 : i32 to index
      %parallel_loop3A_221 = arith.index_cast %parallel_loop3A_68 : i32 to index
      %parallel_loop3A_222 = arith.index_cast %parallel_loop3A_86 : i32 to index
      %parallel_loop3A_223 = tpu.vector_load %arg7[%parallel_loop3A_220, %parallel_loop3A_221, %parallel_loop3A_222] {strides = array<i32>} : memref<16x8x256xf32, #tpu.memory_space<vmem>>, vector<16xf32>,
      tpu.vector_store %arg7[%parallel_loop3A_220, %parallel_loop3A_221, %parallel_loop3A_222], %parallel_loop3A_145 {strides = array<i32>} : memref<16x8x256xf32, #tpu.memory_space<vmem>>, vector<16xf32>,
      %parallel_loop3A_224 = arith.constant 14 : i32
      %parallel_loop3A_225 = arith.index_cast %parallel_loop3A_224 : i32 to index
      %parallel_loop3A_226 = arith.index_cast %parallel_loop3A_68 : i32 to index
      %parallel_loop3A_227 = arith.index_cast %parallel_loop3A_86 : i32 to index
      %parallel_loop3A_228 = tpu.vector_load %arg7[%parallel_loop3A_225, %parallel_loop3A_226, %parallel_loop3A_227] {strides = array<i32>} : memref<16x8x256xf32, #tpu.memory_space<vmem>>, vector<16xf32>,
      tpu.vector_store %arg7[%parallel_loop3A_225, %parallel_loop3A_226, %parallel_loop3A_227], %parallel_loop3A_149 {strides = array<i32>} : memref<16x8x256xf32, #tpu.memory_space<vmem>>, vector<16xf32>,
      %parallel_loop3A_229 = arith.constant 15 : i32
      %parallel_loop3A_230 = arith.index_cast %parallel_loop3A_229 : i32 to index
      %parallel_loop3A_231 = arith.index_cast %parallel_loop3A_68 : i32 to index
      %parallel_loop3A_232 = arith.index_cast %parallel_loop3A_86 : i32 to index
      %parallel_loop3A_233 = tpu.vector_load %arg7[%parallel_loop3A_230, %parallel_loop3A_231, %parallel_loop3A_232] {strides = array<i32>} : memref<16x8x256xf32, #tpu.memory_space<vmem>>, vector<16xf32>,
      tpu.vector_store %arg7[%parallel_loop3A_230, %parallel_loop3A_231, %parallel_loop3A_232], %parallel_loop3A_153 {strides = array<i32>} : memref<16x8x256xf32, #tpu.memory_space<vmem>>, vector<16xf32>,
    } {sc.loop_unroll_factor = 2 : i64, sc.parallel_access}
    %dma_start3A_11 = arith.constant 0 : i32
    %dma_start3A_12 = arith.constant 0 : i32
    %dma_start3A_13 = arith.constant 0 : i32
    %dma_start3A_14 = tpu.memref_slice %arg7[%dma_start3A_11, %dma_start3A_12, %dma_start3A_13] : memref<16x8x256xf32, #tpu.memory_space<vmem>> -> memref<16x4x256xf32, #tpu.memory_space<vmem>>
    %dma_start3A_15 = arith.constant 0 : i32
    %dma_start3A_16 = arith.constant 0 : i32
    %dma_start3A_17 = tpu.memref_slice %arg4[%dma_start3A_15, %mul3A_2, %dma_start3A_16] : memref<16x256x256xf32, #tpu.memory_space<hbm>> -> memref<16x4x256xf32, #tpu.memory_space<hbm>>
    %dma_start3A_18 = arith.constant 0 : i32
    %dma_start3A_19 = arith.constant 0 : i32
    %dma_start3A_20 = tpu.memref_slice %arg4[%dma_start3A_18, %mul3A_2, %dma_start3A_19] : memref<16x256x256xf32, #tpu.memory_space<hbm>> -> memref<16x4x256xf32, #tpu.memory_space<hbm>>
    %dma_start3A_21 = arith.constant 0 : i32
    %dma_start3A_22 = arith.constant 0 : i32
    %dma_start3A_23 = arith.constant 0 : i32
    %dma_start3A_24 = tpu.memref_slice %arg7[%dma_start3A_21, %dma_start3A_22, %dma_start3A_23] : memref<16x8x256xf32, #tpu.memory_space<vmem>> -> memref<16x4x256xf32, #tpu.memory_space<vmem>>
    tpu.enqueue_dma source(%dma_start3A_24 : memref<16x4x256xf32, #tpu.memory_space<vmem>>) target(%dma_start3A_20 : memref<16x4x256xf32, #tpu.memory_space<hbm>>) target_semaphore(%arg10 : memref<!tpu.dma_semaphore, #tpu.memory_space<semaphore_mem>>)
    %parallel_loop3A_25 = arith.constant 64 : i32
    %parallel_loop3A_26 = arith.constant 128 : i32
    %parallel_loop3A_27 = arith.constant 1 : i32
    scf.for %parallel_loop3A_44 = %parallel_loop3A_25 to %parallel_loop3A_26 step %parallel_loop3A_27  : i32 {
      %parallel_loop3A_45 = arith.constant 16 : i32
      %parallel_loop3A_46 = arith.divsi %parallel_loop3A_44, %parallel_loop3A_45 : i32
      %parallel_loop3A_47 = arith.constant 0 : i32
      %parallel_loop3A_48 = arith.cmpi sgt, %parallel_loop3A_44, %parallel_loop3A_47 : i32
      %parallel_loop3A_49 = arith.extui %parallel_loop3A_48 : i1 to i32
      %parallel_loop3A_50 = arith.constant 0 : i32
      %parallel_loop3A_51 = arith.cmpi slt, %parallel_loop3A_44, %parallel_loop3A_50 : i32
      %parallel_loop3A_52 = arith.extui %parallel_loop3A_51 : i1 to i32
      %parallel_loop3A_53 = arith.subi %parallel_loop3A_49, %parallel_loop3A_52 : i32
      %parallel_loop3A_54 = arith.constant 0 : i32
      %parallel_loop3A_55 = arith.cmpi sgt, %parallel_loop3A_45, %parallel_loop3A_54 : i32
      %parallel_loop3A_56 = arith.extui %parallel_loop3A_55 : i1 to i32
      %parallel_loop3A_57 = arith.constant 0 : i32
      %parallel_loop3A_58 = arith.cmpi slt, %parallel_loop3A_45, %parallel_loop3A_57 : i32
      %parallel_loop3A_59 = arith.extui %parallel_loop3A_58 : i1 to i32
      %parallel_loop3A_60 = arith.subi %parallel_loop3A_56, %parallel_loop3A_59 : i32
      %parallel_loop3A_61 = arith.cmpi ne, %parallel_loop3A_53, %parallel_loop3A_60 : i32
      %parallel_loop3A_62 = arith.remsi %parallel_loop3A_44, %parallel_loop3A_45 : i32
      %parallel_loop3A_63 = arith.constant 0 : i32
      %parallel_loop3A_64 = arith.cmpi ne, %parallel_loop3A_62, %parallel_loop3A_63 : i32
      %parallel_loop3A_65 = arith.andi %parallel_loop3A_61, %parallel_loop3A_64 : i1
      %parallel_loop3A_66 = arith.constant 1 : i32
      %parallel_loop3A_67 = arith.subi %parallel_loop3A_46, %parallel_loop3A_66 : i32
      %parallel_loop3A_68 = arith.select %parallel_loop3A_65, %parallel_loop3A_67, %parallel_loop3A_46 : i32
      %parallel_loop3A_69 = arith.constant 16 : i32
      %parallel_loop3A_70 = arith.constant 0 : i32
      %parallel_loop3A_71 = arith.cmpi eq, %parallel_loop3A_69, %parallel_loop3A_70 : i32
      %parallel_loop3A_72 = arith.constant 1 : i32
      %parallel_loop3A_73 = arith.select %parallel_loop3A_71, %parallel_loop3A_72, %parallel_loop3A_69 : i32
      %parallel_loop3A_74 = arith.remsi %parallel_loop3A_44, %parallel_loop3A_73 : i32
      %parallel_loop3A_75 = arith.constant 0 : i32
      %parallel_loop3A_76 = arith.cmpi ne, %parallel_loop3A_74, %parallel_loop3A_75 : i32
      %parallel_loop3A_77 = arith.constant 0 : i32
      %parallel_loop3A_78 = arith.cmpi slt, %parallel_loop3A_74, %parallel_loop3A_77 : i32
      %parallel_loop3A_79 = arith.constant 0 : i32
      %parallel_loop3A_80 = arith.cmpi slt, %parallel_loop3A_73, %parallel_loop3A_79 : i32
      %parallel_loop3A_81 = arith.xori %parallel_loop3A_78, %parallel_loop3A_80 : i1
      %parallel_loop3A_82 = arith.andi %parallel_loop3A_81, %parallel_loop3A_76 : i1
      %parallel_loop3A_83 = arith.addi %parallel_loop3A_74, %parallel_loop3A_73 : i32
      %parallel_loop3A_84 = arith.select %parallel_loop3A_82, %parallel_loop3A_83, %parallel_loop3A_74 : i32
      %parallel_loop3A_85 = arith.constant 16 : i32
      %parallel_loop3A_86 = arith.muli %parallel_loop3A_84, %parallel_loop3A_85 : i32
      %parallel_loop3A_87 = arith.index_cast %parallel_loop3A_68 : i32 to index
      %parallel_loop3A_88 = arith.index_cast %parallel_loop3A_86 : i32 to index
      %parallel_loop3A_89 = tpu.vector_load %arg5[%parallel_loop3A_87, %parallel_loop3A_88] {strides = array<i32>} : memref<8x256xi32, #tpu.memory_space<vmem>>, vector<16xi32>,
      %parallel_loop3A_90 = arith.constant 0 : i32
      %parallel_loop3A_91 = vector.broadcast %parallel_loop3A_90 : i32 to vector<16xi32>
      %parallel_loop3A_92 = arith.addi %parallel_loop3A_89, %parallel_loop3A_91 : vector<16xi32>
      %parallel_loop3A_93 = tpu.vector_load_idx %arg6[%parallel_loop3A_92] : memref<15376xf32, #tpu.memory_space<vmem>>[vector<16xi32>], vector<16xf32>,
      %parallel_loop3A_94 = arith.constant 961 : i32
      %parallel_loop3A_95 = vector.broadcast %parallel_loop3A_94 : i32 to vector<16xi32>
      %parallel_loop3A_96 = arith.addi %parallel_loop3A_89, %parallel_loop3A_95 : vector<16xi32>
      %parallel_loop3A_97 = tpu.vector_load_idx %arg6[%parallel_loop3A_96] : memref<15376xf32, #tpu.memory_space<vmem>>[vector<16xi32>], vector<16xf32>,
      %parallel_loop3A_98 = arith.constant 1922 : i32
      %parallel_loop3A_99 = vector.broadcast %parallel_loop3A_98 : i32 to vector<16xi32>
      %parallel_loop3A_100 = arith.addi %parallel_loop3A_89, %parallel_loop3A_99 : vector<16xi32>
      %parallel_loop3A_101 = tpu.vector_load_idx %arg6[%parallel_loop3A_100] : memref<15376xf32, #tpu.memory_space<vmem>>[vector<16xi32>], vector<16xf32>,
      %parallel_loop3A_102 = arith.constant 2883 : i32
      %parallel_loop3A_103 = vector.broadcast %parallel_loop3A_102 : i32 to vector<16xi32>
      %parallel_loop3A_104 = arith.addi %parallel_loop3A_89, %parallel_loop3A_103 : vector<16xi32>
      %parallel_loop3A_105 = tpu.vector_load_idx %arg6[%parallel_loop3A_104] : memref<15376xf32, #tpu.memory_space<vmem>>[vector<16xi32>], vector<16xf32>,
      %parallel_loop3A_106 = arith.constant 3844 : i32
      %parallel_loop3A_107 = vector.broadcast %parallel_loop3A_106 : i32 to vector<16xi32>
      %parallel_loop3A_108 = arith.addi %parallel_loop3A_89, %parallel_loop3A_107 : vector<16xi32>
      %parallel_loop3A_109 = tpu.vector_load_idx %arg6[%parallel_loop3A_108] : memref<15376xf32, #tpu.memory_space<vmem>>[vector<16xi32>], vector<16xf32>,
      %parallel_loop3A_110 = arith.constant 4805 : i32
      %parallel_loop3A_111 = vector.broadcast %parallel_loop3A_110 : i32 to vector<16xi32>
      %parallel_loop3A_112 = arith.addi %parallel_loop3A_89, %parallel_loop3A_111 : vector<16xi32>
      %parallel_loop3A_113 = tpu.vector_load_idx %arg6[%parallel_loop3A_112] : memref<15376xf32, #tpu.memory_space<vmem>>[vector<16xi32>], vector<16xf32>,
      %parallel_loop3A_114 = arith.constant 5766 : i32
      %parallel_loop3A_115 = vector.broadcast %parallel_loop3A_114 : i32 to vector<16xi32>
      %parallel_loop3A_116 = arith.addi %parallel_loop3A_89, %parallel_loop3A_115 : vector<16xi32>
      %parallel_loop3A_117 = tpu.vector_load_idx %arg6[%parallel_loop3A_116] : memref<15376xf32, #tpu.memory_space<vmem>>[vector<16xi32>], vector<16xf32>,
      %parallel_loop3A_118 = arith.constant 6727 : i32
      %parallel_loop3A_119 = vector.broadcast %parallel_loop3A_118 : i32 to vector<16xi32>
      %parallel_loop3A_120 = arith.addi %parallel_loop3A_89, %parallel_loop3A_119 : vector<16xi32>
      %parallel_loop3A_121 = tpu.vector_load_idx %arg6[%parallel_loop3A_120] : memref<15376xf32, #tpu.memory_space<vmem>>[vector<16xi32>], vector<16xf32>,
      %parallel_loop3A_122 = arith.constant 7688 : i32
      %parallel_loop3A_123 = vector.broadcast %parallel_loop3A_122 : i32 to vector<16xi32>
      %parallel_loop3A_124 = arith.addi %parallel_loop3A_89, %parallel_loop3A_123 : vector<16xi32>
      %parallel_loop3A_125 = tpu.vector_load_idx %arg6[%parallel_loop3A_124] : memref<15376xf32, #tpu.memory_space<vmem>>[vector<16xi32>], vector<16xf32>,
      %parallel_loop3A_126 = arith.constant 8649 : i32
      %parallel_loop3A_127 = vector.broadcast %parallel_loop3A_126 : i32 to vector<16xi32>
      %parallel_loop3A_128 = arith.addi %parallel_loop3A_89, %parallel_loop3A_127 : vector<16xi32>
      %parallel_loop3A_129 = tpu.vector_load_idx %arg6[%parallel_loop3A_128] : memref<15376xf32, #tpu.memory_space<vmem>>[vector<16xi32>], vector<16xf32>,
      %parallel_loop3A_130 = arith.constant 9610 : i32
      %parallel_loop3A_131 = vector.broadcast %parallel_loop3A_130 : i32 to vector<16xi32>
      %parallel_loop3A_132 = arith.addi %parallel_loop3A_89, %parallel_loop3A_131 : vector<16xi32>
      %parallel_loop3A_133 = tpu.vector_load_idx %arg6[%parallel_loop3A_132] : memref<15376xf32, #tpu.memory_space<vmem>>[vector<16xi32>], vector<16xf32>,
      %parallel_loop3A_134 = arith.constant 10571 : i32
      %parallel_loop3A_135 = vector.broadcast %parallel_loop3A_134 : i32 to vector<16xi32>
      %parallel_loop3A_136 = arith.addi %parallel_loop3A_89, %parallel_loop3A_135 : vector<16xi32>
      %parallel_loop3A_137 = tpu.vector_load_idx %arg6[%parallel_loop3A_136] : memref<15376xf32, #tpu.memory_space<vmem>>[vector<16xi32>], vector<16xf32>,
      %parallel_loop3A_138 = arith.constant 11532 : i32
      %parallel_loop3A_139 = vector.broadcast %parallel_loop3A_138 : i32 to vector<16xi32>
      %parallel_loop3A_140 = arith.addi %parallel_loop3A_89, %parallel_loop3A_139 : vector<16xi32>
      %parallel_loop3A_141 = tpu.vector_load_idx %arg6[%parallel_loop3A_140] : memref<15376xf32, #tpu.memory_space<vmem>>[vector<16xi32>], vector<16xf32>,
      %parallel_loop3A_142 = arith.constant 12493 : i32
      %parallel_loop3A_143 = vector.broadcast %parallel_loop3A_142 : i32 to vector<16xi32>
      %parallel_loop3A_144 = arith.addi %parallel_loop3A_89, %parallel_loop3A_143 : vector<16xi32>
      %parallel_loop3A_145 = tpu.vector_load_idx %arg6[%parallel_loop3A_144] : memref<15376xf32, #tpu.memory_space<vmem>>[vector<16xi32>], vector<16xf32>,
      %parallel_loop3A_146 = arith.constant 13454 : i32
      %parallel_loop3A_147 = vector.broadcast %parallel_loop3A_146 : i32 to vector<16xi32>
      %parallel_loop3A_148 = arith.addi %parallel_loop3A_89, %parallel_loop3A_147 : vector<16xi32>
      %parallel_loop3A_149 = tpu.vector_load_idx %arg6[%parallel_loop3A_148] : memref<15376xf32, #tpu.memory_space<vmem>>[vector<16xi32>], vector<16xf32>,
      %parallel_loop3A_150 = arith.constant 14415 : i32
      %parallel_loop3A_151 = vector.broadcast %parallel_loop3A_150 : i32 to vector<16xi32>
      %parallel_loop3A_152 = arith.addi %parallel_loop3A_89, %parallel_loop3A_151 : vector<16xi32>
      %parallel_loop3A_153 = tpu.vector_load_idx %arg6[%parallel_loop3A_152] : memref<15376xf32, #tpu.memory_space<vmem>>[vector<16xi32>], vector<16xf32>,
      %parallel_loop3A_154 = arith.constant 0 : i32
      %parallel_loop3A_155 = arith.index_cast %parallel_loop3A_154 : i32 to index
      %parallel_loop3A_156 = arith.index_cast %parallel_loop3A_68 : i32 to index
      %parallel_loop3A_157 = arith.index_cast %parallel_loop3A_86 : i32 to index
      %parallel_loop3A_158 = tpu.vector_load %arg7[%parallel_loop3A_155, %parallel_loop3A_156, %parallel_loop3A_157] {strides = array<i32>} : memref<16x8x256xf32, #tpu.memory_space<vmem>>, vector<16xf32>,
      tpu.vector_store %arg7[%parallel_loop3A_155, %parallel_loop3A_156, %parallel_loop3A_157], %parallel_loop3A_93 {strides = array<i32>} : memref<16x8x256xf32, #tpu.memory_space<vmem>>, vector<16xf32>,
      %parallel_loop3A_159 = arith.constant 1 : i32
      %parallel_loop3A_160 = arith.index_cast %parallel_loop3A_159 : i32 to index
      %parallel_loop3A_161 = arith.index_cast %parallel_loop3A_68 : i32 to index
      %parallel_loop3A_162 = arith.index_cast %parallel_loop3A_86 : i32 to index
      %parallel_loop3A_163 = tpu.vector_load %arg7[%parallel_loop3A_160, %parallel_loop3A_161, %parallel_loop3A_162] {strides = array<i32>} : memref<16x8x256xf32, #tpu.memory_space<vmem>>, vector<16xf32>,
      tpu.vector_store %arg7[%parallel_loop3A_160, %parallel_loop3A_161, %parallel_loop3A_162], %parallel_loop3A_97 {strides = array<i32>} : memref<16x8x256xf32, #tpu.memory_space<vmem>>, vector<16xf32>,
      %parallel_loop3A_164 = arith.constant 2 : i32
      %parallel_loop3A_165 = arith.index_cast %parallel_loop3A_164 : i32 to index
      %parallel_loop3A_166 = arith.index_cast %parallel_loop3A_68 : i32 to index
      %parallel_loop3A_167 = arith.index_cast %parallel_loop3A_86 : i32 to index
      %parallel_loop3A_168 = tpu.vector_load %arg7[%parallel_loop3A_165, %parallel_loop3A_166, %parallel_loop3A_167] {strides = array<i32>} : memref<16x8x256xf32, #tpu.memory_space<vmem>>, vector<16xf32>,
      tpu.vector_store %arg7[%parallel_loop3A_165, %parallel_loop3A_166, %parallel_loop3A_167], %parallel_loop3A_101 {strides = array<i32>} : memref<16x8x256xf32, #tpu.memory_space<vmem>>, vector<16xf32>,
      %parallel_loop3A_169 = arith.constant 3 : i32
      %parallel_loop3A_170 = arith.index_cast %parallel_loop3A_169 : i32 to index
      %parallel_loop3A_171 = arith.index_cast %parallel_loop3A_68 : i32 to index
      %parallel_loop3A_172 = arith.index_cast %parallel_loop3A_86 : i32 to index
      %parallel_loop3A_173 = tpu.vector_load %arg7[%parallel_loop3A_170, %parallel_loop3A_171, %parallel_loop3A_172] {strides = array<i32>} : memref<16x8x256xf32, #tpu.memory_space<vmem>>, vector<16xf32>,
      tpu.vector_store %arg7[%parallel_loop3A_170, %parallel_loop3A_171, %parallel_loop3A_172], %parallel_loop3A_105 {strides = array<i32>} : memref<16x8x256xf32, #tpu.memory_space<vmem>>, vector<16xf32>,
      %parallel_loop3A_174 = arith.constant 4 : i32
      %parallel_loop3A_175 = arith.index_cast %parallel_loop3A_174 : i32 to index
      %parallel_loop3A_176 = arith.index_cast %parallel_loop3A_68 : i32 to index
      %parallel_loop3A_177 = arith.index_cast %parallel_loop3A_86 : i32 to index
      %parallel_loop3A_178 = tpu.vector_load %arg7[%parallel_loop3A_175, %parallel_loop3A_176, %parallel_loop3A_177] {strides = array<i32>} : memref<16x8x256xf32, #tpu.memory_space<vmem>>, vector<16xf32>,
      tpu.vector_store %arg7[%parallel_loop3A_175, %parallel_loop3A_176, %parallel_loop3A_177], %parallel_loop3A_109 {strides = array<i32>} : memref<16x8x256xf32, #tpu.memory_space<vmem>>, vector<16xf32>,
      %parallel_loop3A_179 = arith.constant 5 : i32
      %parallel_loop3A_180 = arith.index_cast %parallel_loop3A_179 : i32 to index
      %parallel_loop3A_181 = arith.index_cast %parallel_loop3A_68 : i32 to index
      %parallel_loop3A_182 = arith.index_cast %parallel_loop3A_86 : i32 to index
      %parallel_loop3A_183 = tpu.vector_load %arg7[%parallel_loop3A_180, %parallel_loop3A_181, %parallel_loop3A_182] {strides = array<i32>} : memref<16x8x256xf32, #tpu.memory_space<vmem>>, vector<16xf32>,
      tpu.vector_store %arg7[%parallel_loop3A_180, %parallel_loop3A_181, %parallel_loop3A_182], %parallel_loop3A_113 {strides = array<i32>} : memref<16x8x256xf32, #tpu.memory_space<vmem>>, vector<16xf32>,
      %parallel_loop3A_184 = arith.constant 6 : i32
      %parallel_loop3A_185 = arith.index_cast %parallel_loop3A_184 : i32 to index
      %parallel_loop3A_186 = arith.index_cast %parallel_loop3A_68 : i32 to index
      %parallel_loop3A_187 = arith.index_cast %parallel_loop3A_86 : i32 to index
      %parallel_loop3A_188 = tpu.vector_load %arg7[%parallel_loop3A_185, %parallel_loop3A_186, %parallel_loop3A_187] {strides = array<i32>} : memref<16x8x256xf32, #tpu.memory_space<vmem>>, vector<16xf32>,
      tpu.vector_store %arg7[%parallel_loop3A_185, %parallel_loop3A_186, %parallel_loop3A_187], %parallel_loop3A_117 {strides = array<i32>} : memref<16x8x256xf32, #tpu.memory_space<vmem>>, vector<16xf32>,
      %parallel_loop3A_189 = arith.constant 7 : i32
      %parallel_loop3A_190 = arith.index_cast %parallel_loop3A_189 : i32 to index
      %parallel_loop3A_191 = arith.index_cast %parallel_loop3A_68 : i32 to index
      %parallel_loop3A_192 = arith.index_cast %parallel_loop3A_86 : i32 to index
      %parallel_loop3A_193 = tpu.vector_load %arg7[%parallel_loop3A_190, %parallel_loop3A_191, %parallel_loop3A_192] {strides = array<i32>} : memref<16x8x256xf32, #tpu.memory_space<vmem>>, vector<16xf32>,
      tpu.vector_store %arg7[%parallel_loop3A_190, %parallel_loop3A_191, %parallel_loop3A_192], %parallel_loop3A_121 {strides = array<i32>} : memref<16x8x256xf32, #tpu.memory_space<vmem>>, vector<16xf32>,
      %parallel_loop3A_194 = arith.constant 8 : i32
      %parallel_loop3A_195 = arith.index_cast %parallel_loop3A_194 : i32 to index
      %parallel_loop3A_196 = arith.index_cast %parallel_loop3A_68 : i32 to index
      %parallel_loop3A_197 = arith.index_cast %parallel_loop3A_86 : i32 to index
      %parallel_loop3A_198 = tpu.vector_load %arg7[%parallel_loop3A_195, %parallel_loop3A_196, %parallel_loop3A_197] {strides = array<i32>} : memref<16x8x256xf32, #tpu.memory_space<vmem>>, vector<16xf32>,
      tpu.vector_store %arg7[%parallel_loop3A_195, %parallel_loop3A_196, %parallel_loop3A_197], %parallel_loop3A_125 {strides = array<i32>} : memref<16x8x256xf32, #tpu.memory_space<vmem>>, vector<16xf32>,
      %parallel_loop3A_199 = arith.constant 9 : i32
      %parallel_loop3A_200 = arith.index_cast %parallel_loop3A_199 : i32 to index
      %parallel_loop3A_201 = arith.index_cast %parallel_loop3A_68 : i32 to index
      %parallel_loop3A_202 = arith.index_cast %parallel_loop3A_86 : i32 to index
      %parallel_loop3A_203 = tpu.vector_load %arg7[%parallel_loop3A_200, %parallel_loop3A_201, %parallel_loop3A_202] {strides = array<i32>} : memref<16x8x256xf32, #tpu.memory_space<vmem>>, vector<16xf32>,
      tpu.vector_store %arg7[%parallel_loop3A_200, %parallel_loop3A_201, %parallel_loop3A_202], %parallel_loop3A_129 {strides = array<i32>} : memref<16x8x256xf32, #tpu.memory_space<vmem>>, vector<16xf32>,
      %parallel_loop3A_204 = arith.constant 10 : i32
      %parallel_loop3A_205 = arith.index_cast %parallel_loop3A_204 : i32 to index
      %parallel_loop3A_206 = arith.index_cast %parallel_loop3A_68 : i32 to index
      %parallel_loop3A_207 = arith.index_cast %parallel_loop3A_86 : i32 to index
      %parallel_loop3A_208 = tpu.vector_load %arg7[%parallel_loop3A_205, %parallel_loop3A_206, %parallel_loop3A_207] {strides = array<i32>} : memref<16x8x256xf32, #tpu.memory_space<vmem>>, vector<16xf32>,
      tpu.vector_store %arg7[%parallel_loop3A_205, %parallel_loop3A_206, %parallel_loop3A_207], %parallel_loop3A_133 {strides = array<i32>} : memref<16x8x256xf32, #tpu.memory_space<vmem>>, vector<16xf32>,
      %parallel_loop3A_209 = arith.constant 11 : i32
      %parallel_loop3A_210 = arith.index_cast %parallel_loop3A_209 : i32 to index
      %parallel_loop3A_211 = arith.index_cast %parallel_loop3A_68 : i32 to index
      %parallel_loop3A_212 = arith.index_cast %parallel_loop3A_86 : i32 to index
      %parallel_loop3A_213 = tpu.vector_load %arg7[%parallel_loop3A_210, %parallel_loop3A_211, %parallel_loop3A_212] {strides = array<i32>} : memref<16x8x256xf32, #tpu.memory_space<vmem>>, vector<16xf32>,
      tpu.vector_store %arg7[%parallel_loop3A_210, %parallel_loop3A_211, %parallel_loop3A_212], %parallel_loop3A_137 {strides = array<i32>} : memref<16x8x256xf32, #tpu.memory_space<vmem>>, vector<16xf32>,
      %parallel_loop3A_214 = arith.constant 12 : i32
      %parallel_loop3A_215 = arith.index_cast %parallel_loop3A_214 : i32 to index
      %parallel_loop3A_216 = arith.index_cast %parallel_loop3A_68 : i32 to index
      %parallel_loop3A_217 = arith.index_cast %parallel_loop3A_86 : i32 to index
      %parallel_loop3A_218 = tpu.vector_load %arg7[%parallel_loop3A_215, %parallel_loop3A_216, %parallel_loop3A_217] {strides = array<i32>} : memref<16x8x256xf32, #tpu.memory_space<vmem>>, vector<16xf32>,
      tpu.vector_store %arg7[%parallel_loop3A_215, %parallel_loop3A_216, %parallel_loop3A_217], %parallel_loop3A_141 {strides = array<i32>} : memref<16x8x256xf32, #tpu.memory_space<vmem>>, vector<16xf32>,
      %parallel_loop3A_219 = arith.constant 13 : i32
      %parallel_loop3A_220 = arith.index_cast %parallel_loop3A_219 : i32 to index
      %parallel_loop3A_221 = arith.index_cast %parallel_loop3A_68 : i32 to index
      %parallel_loop3A_222 = arith.index_cast %parallel_loop3A_86 : i32 to index
      %parallel_loop3A_223 = tpu.vector_load %arg7[%parallel_loop3A_220, %parallel_loop3A_221, %parallel_loop3A_222] {strides = array<i32>} : memref<16x8x256xf32, #tpu.memory_space<vmem>>, vector<16xf32>,
      tpu.vector_store %arg7[%parallel_loop3A_220, %parallel_loop3A_221, %parallel_loop3A_222], %parallel_loop3A_145 {strides = array<i32>} : memref<16x8x256xf32, #tpu.memory_space<vmem>>, vector<16xf32>,
      %parallel_loop3A_224 = arith.constant 14 : i32
      %parallel_loop3A_225 = arith.index_cast %parallel_loop3A_224 : i32 to index
      %parallel_loop3A_226 = arith.index_cast %parallel_loop3A_68 : i32 to index
      %parallel_loop3A_227 = arith.index_cast %parallel_loop3A_86 : i32 to index
      %parallel_loop3A_228 = tpu.vector_load %arg7[%parallel_loop3A_225, %parallel_loop3A_226, %parallel_loop3A_227] {strides = array<i32>} : memref<16x8x256xf32, #tpu.memory_space<vmem>>, vector<16xf32>,
      tpu.vector_store %arg7[%parallel_loop3A_225, %parallel_loop3A_226, %parallel_loop3A_227], %parallel_loop3A_149 {strides = array<i32>} : memref<16x8x256xf32, #tpu.memory_space<vmem>>, vector<16xf32>,
      %parallel_loop3A_229 = arith.constant 15 : i32
      %parallel_loop3A_230 = arith.index_cast %parallel_loop3A_229 : i32 to index
      %parallel_loop3A_231 = arith.index_cast %parallel_loop3A_68 : i32 to index
      %parallel_loop3A_232 = arith.index_cast %parallel_loop3A_86 : i32 to index
      %parallel_loop3A_233 = tpu.vector_load %arg7[%parallel_loop3A_230, %parallel_loop3A_231, %parallel_loop3A_232] {strides = array<i32>} : memref<16x8x256xf32, #tpu.memory_space<vmem>>, vector<16xf32>,
      tpu.vector_store %arg7[%parallel_loop3A_230, %parallel_loop3A_231, %parallel_loop3A_232], %parallel_loop3A_153 {strides = array<i32>} : memref<16x8x256xf32, #tpu.memory_space<vmem>>, vector<16xf32>,
    } {sc.loop_unroll_factor = 2 : i64, sc.parallel_access}
    %dma_wait3A_28 = arith.constant 0 : i32
    %dma_wait3A_29 = arith.constant 0 : i32
    %dma_wait3A_30 = arith.constant 0 : i32
    %dma_wait3A_31 = tpu.memref_slice %arg7[%dma_wait3A_28, %dma_wait3A_29, %dma_wait3A_30] : memref<16x8x256xf32, #tpu.memory_space<vmem>> -> memref<16x4x256xf32, #tpu.memory_space<vmem>>
    %dma_wait3A_32 = arith.constant 0 : i32
    %dma_wait3A_33 = arith.constant 0 : i32
    %dma_wait3A_34 = tpu.memref_slice %arg4[%dma_wait3A_32, %mul3A_2, %dma_wait3A_33] : memref<16x256x256xf32, #tpu.memory_space<hbm>> -> memref<16x4x256xf32, #tpu.memory_space<hbm>>
    %dma_wait3A_35 = arith.constant 0 : i32
    %dma_wait3A_36 = arith.constant 0 : i32
    %dma_wait3A_37 = tpu.memref_slice %arg4[%dma_wait3A_35, %mul3A_2, %dma_wait3A_36] : memref<16x256x256xf32, #tpu.memory_space<hbm>> -> memref<16x4x256xf32, #tpu.memory_space<hbm>>
    %dma_wait3A_38 = arith.constant 0 : i32
    %dma_wait3A_39 = arith.constant 0 : i32
    %dma_wait3A_40 = arith.constant 0 : i32
    %dma_wait3A_41 = tpu.memref_slice %arg7[%dma_wait3A_38, %dma_wait3A_39, %dma_wait3A_40] : memref<16x8x256xf32, #tpu.memory_space<vmem>> -> memref<16x4x256xf32, #tpu.memory_space<vmem>>
    tpu.wait_dma2 semaphore(%arg10 : memref<!tpu.dma_semaphore, #tpu.memory_space<semaphore_mem>>) src(%dma_wait3A_41 : memref<16x4x256xf32, #tpu.memory_space<vmem>>) dst(%dma_wait3A_37 : memref<16x4x256xf32, #tpu.memory_space<hbm>>)
    %add3A_42 = arith.constant 4 : i32
    %add3A_43 = arith.addi %mul3A_2, %add3A_42 : i32
    "tpu.region"() ({
      %run_scoped3A = tpu.sem_alloc : memref<!tpu.dma_semaphore, #tpu.memory_space<semaphore_mem>>
      %dma_start3A_44 = arith.constant 0 : i32
      %dma_start3A_45 = arith.constant 4 : i32
      %dma_start3A_46 = arith.constant 0 : i32
      %dma_start3A_47 = tpu.memref_slice %arg7[%dma_start3A_44, %dma_start3A_45, %dma_start3A_46] : memref<16x8x256xf32, #tpu.memory_space<vmem>> -> memref<16x4x256xf32, #tpu.memory_space<vmem>>
      %dma_start3A_48 = arith.constant 0 : i32
      %dma_start3A_49 = arith.constant 0 : i32
      %dma_start3A_50 = tpu.memref_slice %arg4[%dma_start3A_48, %add3A_43, %dma_start3A_49] : memref<16x256x256xf32, #tpu.memory_space<hbm>> -> memref<16x4x256xf32, #tpu.memory_space<hbm>>
      %dma_start3A_51 = arith.constant 0 : i32
      %dma_start3A_52 = arith.constant 0 : i32
      %dma_start3A_53 = tpu.memref_slice %arg4[%dma_start3A_51, %add3A_43, %dma_start3A_52] : memref<16x256x256xf32, #tpu.memory_space<hbm>> -> memref<16x4x256xf32, #tpu.memory_space<hbm>>
      %dma_start3A_54 = arith.constant 0 : i32
      %dma_start3A_55 = arith.constant 4 : i32
      %dma_start3A_56 = arith.constant 0 : i32
      %dma_start3A_57 = tpu.memref_slice %arg7[%dma_start3A_54, %dma_start3A_55, %dma_start3A_56] : memref<16x8x256xf32, #tpu.memory_space<vmem>> -> memref<16x4x256xf32, #tpu.memory_space<vmem>>
      tpu.enqueue_dma source(%dma_start3A_57 : memref<16x4x256xf32, #tpu.memory_space<vmem>>) target(%dma_start3A_53 : memref<16x4x256xf32, #tpu.memory_space<hbm>>) target_semaphore(%run_scoped3A : memref<!tpu.dma_semaphore, #tpu.memory_space<semaphore_mem>>)
      %dma_wait3A_58 = arith.constant 0 : i32
      %dma_wait3A_59 = arith.constant 4 : i32
      %dma_wait3A_60 = arith.constant 0 : i32
      %dma_wait3A_61 = tpu.memref_slice %arg7[%dma_wait3A_58, %dma_wait3A_59, %dma_wait3A_60] : memref<16x8x256xf32, #tpu.memory_space<vmem>> -> memref<16x4x256xf32, #tpu.memory_space<vmem>>
      %dma_wait3A_62 = arith.constant 0 : i32
      %dma_wait3A_63 = arith.constant 0 : i32
      %dma_wait3A_64 = tpu.memref_slice %arg4[%dma_wait3A_62, %add3A_43, %dma_wait3A_63] : memref<16x256x256xf32, #tpu.memory_space<hbm>> -> memref<16x4x256xf32, #tpu.memory_space<hbm>>
      %dma_wait3A_65 = arith.constant 0 : i32
      %dma_wait3A_66 = arith.constant 0 : i32
      %dma_wait3A_67 = tpu.memref_slice %arg4[%dma_wait3A_65, %add3A_43, %dma_wait3A_66] : memref<16x256x256xf32, #tpu.memory_space<hbm>> -> memref<16x4x256xf32, #tpu.memory_space<hbm>>
      %dma_wait3A_68 = arith.constant 0 : i32
      %dma_wait3A_69 = arith.constant 4 : i32
      %dma_wait3A_70 = arith.constant 0 : i32
      %dma_wait3A_71 = tpu.memref_slice %arg7[%dma_wait3A_68, %dma_wait3A_69, %dma_wait3A_70] : memref<16x8x256xf32, #tpu.memory_space<vmem>> -> memref<16x4x256xf32, #tpu.memory_space<vmem>>
      tpu.wait_dma2 semaphore(%run_scoped3A : memref<!tpu.dma_semaphore, #tpu.memory_space<semaphore_mem>>) src(%dma_wait3A_71 : memref<16x4x256xf32, #tpu.memory_space<vmem>>) dst(%dma_wait3A_67 : memref<16x4x256xf32, #tpu.memory_space<hbm>>)
      tpu.yield
    }) : () -> ()
    return
  }
}

module attributes {stable_mosaic.version = 14 : i64} {
  func.func @_add_body(%arg0: i32, %arg1: memref<2x16x256x256xf32, #tpu.memory_space<vmem>>, %arg2: memref<16x256x256xf32, #tpu.memory_space<vmem>>, %arg3: memref<2x16x256x256xf32, #tpu.memory_space<vmem>>) attributes {dimension_semantics = [#tpu.dimension_semantics<arbitrary>], iteration_bounds = array<i64: 32>, scalar_prefetch = 0 : i64, scratch_operands = 0 : i64, tpu.core_type = #tpu.core_type<tc>, window_params = [{transform_indices = @transform_0, window_bounds = array<i64: 2, 16, 256, 256>}, {pipeline_mode = #tpu.pipeline_mode<synchronous>, transform_indices = @transform_1, window_bounds = array<i64: 16, 256, 256>}, {transform_indices = @transform_2, window_bounds = array<i64: 2, 16, 256, 256>}]} {
    %get3A = arith.constant 0 : index
    %get3A_0 = arith.constant 0 : index
    %get3A_1 = arith.constant 0 : index
    %get3A_2 = arith.constant 0 : index
    %get3A_3 = vector.load %arg1[%get3A, %get3A_0, %get3A_1, %get3A_2] : memref<2x16x256x256xf32, #tpu.memory_space<vmem>>, vector<2x16x256x256xf32>
    %get3A_4 = arith.constant 0 : index
    %get3A_5 = arith.constant 0 : index
    %get3A_6 = arith.constant 0 : index
    %get3A_7 = vector.load %arg2[%get3A_4, %get3A_5, %get3A_6] : memref<16x256x256xf32, #tpu.memory_space<vmem>>, vector<16x256x256xf32>
    %broadcast_in_dim3A = vector.shape_cast %get3A_7 : vector<16x256x256xf32> to vector<1x16x256x256xf32>
    %add3A = vector.broadcast %broadcast_in_dim3A : vector<1x16x256x256xf32> to vector<2x16x256x256xf32>
    %add3A_8 = arith.addf %get3A_3, %add3A : vector<2x16x256x256xf32>
    %swap3A = arith.constant 0 : index
    %swap3A_9 = arith.constant 0 : index
    %swap3A_10 = arith.constant 0 : index
    %swap3A_11 = arith.constant 0 : index
    %swap3A_12 = vector.load %arg3[%swap3A, %swap3A_9, %swap3A_10, %swap3A_11] : memref<2x16x256x256xf32, #tpu.memory_space<vmem>>, vector<2x16x256x256xf32>
    tpu.vector_store %arg3[%swap3A, %swap3A_9, %swap3A_10, %swap3A_11], %add3A_8 {strides = array<i32>} : memref<2x16x256x256xf32, #tpu.memory_space<vmem>>, vector<2x16x256x256xf32>,
    return
  }
  func.func @transform_0(%arg0: i32) -> (i32, i32, i32, i32) {
    %c0_i32 = arith.constant 0 : i32
    %c0_i32_0 = arith.constant 0 : i32
    %c0_i32_1 = arith.constant 0 : i32
    %c0_i32_2 = arith.constant 0 : i32
    return %arg0, %c0_i32, %c0_i32_0, %c0_i32_1 : i32, i32, i32, i32
  }
  func.func @transform_1(%arg0: i32) -> (i32, i32, i32) {
    %c0_i32 = arith.constant 0 : i32
    %c0_i32_0 = arith.constant 0 : i32
    %c0_i32_1 = arith.constant 0 : i32
    %c0_i32_2 = arith.constant 0 : i32
    return %c0_i32, %c0_i32_0, %c0_i32_1 : i32, i32, i32
  }
  func.func @transform_2(%arg0: i32) -> (i32, i32, i32, i32) {
    %c0_i32 = arith.constant 0 : i32
    %c0_i32_0 = arith.constant 0 : i32
    %c0_i32_1 = arith.constant 0 : i32
    %c0_i32_2 = arith.constant 0 : i32
    return %arg0, %c0_i32, %c0_i32_0, %c0_i32_1 : i32, i32, i32, i32
  }
}

</mosaic_0001>

<sc_bundles>
// kernel: kernel.4.cloned.1.call-start
scs
__scs_entry_jumppad:
0x0: {  	(pc) =	sbr.rel $0x88, $3  }
0x1: {  	(tag) =	ssettag $0x0;
	lr =	simm.s32 $0x1  }
0x2: {  	[smem:$0x3F9E] =	sst lr;
	_ =	strace $0xD0000000  }
0x3: {  	_ = 	snop  }
0x4: {  	_ = 	snop  }
0x5: {  	_ = 	snop  }
0x6: {  	_ = 	snop  }
0x7: {  	_ = 	snop  }
__scs_overlays_trampoline_lowered:
0x8: {  	[smem:$0x3FAD] =	sst s0  }
0x9: {  	[smem:$0x3FAE] =	sst s1  }
0xa: {  	[smem:$0x3FAF] =	sst s2  }
0xb: {  	[smem:$0x3FB0] =	sst s3  }
0xc: {  	[smem:$0x3FB1] =	sst s4  }
0xd: {  	[smem:$0x3FB2] =	sst s5  }
0xe: {  	[smem:$0x3FB3] =	sst s6  }
0xf: {  	[smem:$0x3FB4] =	sst s7  }
0x10: {  	[smem:$0x3FB5] =	sst s8  }
0x11: {  	[smem:$0x3FB6] =	sst s9;
	s0 =	simm.s32 @!p0 $0x0  }
0x12: {  	s1 =	sld [smem:$0x3F9C];
	s0 =	simm.s32 @p0 $0x1  }
0x13: {  	[smem:$0x3FB7] =	sst s0;
	s0 =	simm.s32 @!p1 $0x0  }
0x14: {  	s2 =	sld [smem:$0x3F9B];
	s0 =	simm.s32 @p1 $0x1  }
0x15: {  	[smem:$0x3FB8] =	sst s0;
	s0 =	simm.s32 @!p2 $0x0  }
0x16: {  	s3 =	sld [smem:$0x3FDB];
	s0 =	simm.s32 @p2 $0x1  }
0x17: {  	s4 =	simm.s32 $0x1BF5;
	[smem:$0x3FBA] =	sst s0  }
0x18: {  	s0 =	sld [smem:$0x3F9D];
	_ =	swait.ge [sflag:s4], $0x0  }
0x19: {  	s7 =	sld [smem:$0x3F9E]  }
0x1a: {  	s8 =	sadd.s32 $0xFFFFE003, lr  }
0x1b: {  	s9 =	sadd.s32 $0xFFFFFEF7, lr;
	s5 =	simm.s32 $0xFFFFFFFF;
	p2 =	slt.u32 s8, $0xFFFFF086  }
0x1c: {  	p1 =	slt.u32 s9, $0xF7A;
	s5 =	simm.s32 @!p2 $0x0  }
0x1d: {  	s5 =	simm.s32 @p1 $0x1;
	p0 =	seq.s32 s7, s2  }
0x1e: {  	s7 =	smul.u32 @!p0 $0xF7A, s2;
	p2 =	seq.s32 @!p0 s5, $0x0  }
0x1f: {  	s9 =	smul.u32 $0xF7A, s1;
	s8 =	simm.s32 @!p0 $0x1BF5;
	p2 =	por !p2, p0  }
0x20: {  	[sflag:s8] =	ssyncset.s32 @!p0 $0xFFFFF086;
	s6 =	sadd.s32 @!p0 s3, s7;
	s7 =	simm.s32 @!p0 $0x108  }
0x21: {  	s3 =	sadd.s32 s3, s9;
	s6 =	sadd.s32 @!p0 $0x88, s6;
	s7 =	simm.s32 @p2 $0x1082  }
0x22: {  	[simem:s7], [sflag:s8] =	dma.local @!p0 [hbm:s6], $0xF7A  }
0x23: {  	s9 =	sor.u32 $0xD0000000, s2;
	s6 =	simm.s32 $0x108;
	_ =	swait.ge @!p0 [sflag:s8], $0x0  }
0x24: {  	s3 =	sadd.s32 $0x88, s3;
	s6 =	simm.s32 @!p1 $0x1082;
	[sflag:s4] =	ssyncset.s32 $0xFFFFF086  }
0x25: {  	[simem:s6], [sflag:s4] =	dma.local [hbm:s3], $0xF7A  }
0x26: {  	[smem:$0x3F9E] =	sst s1;
	(tag) =	ssettag s2;
	_ =	strace s9  }
0x27: {  	s1 =	sld [smem:$0x3FAE]  }
0x28: {  	s2 =	sld [smem:$0x3FAF]  }
0x29: {  	s4 =	sld [smem:$0x3FB1]  }
0x2a: {  	p0 =	seq.s32 s5, $0x0;
	s5 =	sld [smem:$0x3FB2]  }
0x2b: {  	s6 =	sld [smem:$0x3FB3]  }
0x2c: {  	s7 =	sld [smem:$0x3FB4]  }
0x2d: {  	s3 =	simm.s32 $0x108;
	s8 =	sld [smem:$0x3FB5]  }
0x2e: {  	s3 =	simm.s32 @!p0 $0x1082;
	s9 =	sld [smem:$0x3FB6]  }
0x2f: {  	lr =	sadd.s32 s0, s3;
	s0 =	sld [smem:$0x3FAD]  }
0x30: {  	s3 =	sld [smem:$0x3FB0]  }
0x31: {  	[smem:$0x3FB9] =	sst s10  }
0x32: {  	s10 =	sld [smem:$0x3FB7];
	_ =	sdelay $0x3  }
0x33: {  	p0 =	seq.s32 s10, $0x1;
	s10 =	sld [smem:$0x3FB9];
	_ =	sdelay $0x3  }
0x34: {  	[smem:$0x3FB9] =	sst s10  }
0x35: {  	s10 =	sld [smem:$0x3FB8];
	_ =	sdelay $0x3  }
0x36: {  	p1 =	seq.s32 s10, $0x1;
	s10 =	sld [smem:$0x3FB9];
	_ =	sdelay $0x3  }
0x37: {  	[smem:$0x3FB9] =	sst s10  }
0x38: {  	s10 =	sld [smem:$0x3FBA]  }
0x39: {  	_ = 	snop;
	(pc) =	sbr.ind lr, $3  }
0x3a: {  	_ = 	snop  }
0x3b: {  	_ = 	snop  }
0x3c: {  	p2 =	seq.s32 s10, $0x1;
	s10 =	sld [smem:$0x3FB9]  }
0x3d: {  	_ =	shalt  }
0x3e: {  	_ =	shalt  }
0x3f: {  	_ =	shalt  }
0x40: {  	_ =	shalt  }
0x41: {  	_ =	shalt  }
0x42: {  	_ =	shalt  }
0x43: {  	_ =	shalt  }
0x44: {  	_ =	shalt  }
0x45: {  	_ =	shalt  }
0x46: {  	_ =	shalt  }
0x47: {  	_ =	shalt  }
0x48: {  	_ =	shalt  }
0x49: {  	_ =	shalt  }
0x4a: {  	_ =	shalt  }
0x4b: {  	_ =	shalt  }
0x4c: {  	_ =	shalt  }
0x4d: {  	_ =	shalt  }
0x4e: {  	_ =	shalt  }
0x4f: {  	_ =	shalt  }
0x50: {  	_ =	shalt  }
0x51: {  	_ =	shalt  }
0x52: {  	_ =	shalt  }
0x53: {  	_ =	shalt  }
0x54: {  	_ =	shalt  }
0x55: {  	_ =	shalt  }
0x56: {  	_ =	shalt  }
0x57: {  	_ =	shalt  }
0x58: {  	_ =	shalt  }
0x59: {  	_ =	shalt  }
0x5a: {  	_ =	shalt  }
0x5b: {  	_ =	shalt  }
0x5c: {  	_ =	shalt  }
0x5d: {  	_ =	shalt  }
0x5e: {  	_ =	shalt  }
0x5f: {  	_ =	shalt  }
0x60: {  	_ =	shalt  }
0x61: {  	_ =	shalt  }
0x62: {  	_ =	shalt  }
0x63: {  	_ =	shalt  }
0x64: {  	_ =	shalt  }
0x65: {  	_ =	shalt  }
0x66: {  	_ =	shalt  }
0x67: {  	_ =	shalt  }
0x68: {  	_ =	shalt  }
0x69: {  	_ =	shalt  }
0x6a: {  	_ =	shalt  }
0x6b: {  	_ =	shalt  }
0x6c: {  	_ =	shalt  }
0x6d: {  	_ =	shalt  }
0x6e: {  	_ =	shalt  }
0x6f: {  	_ =	shalt  }
0x70: {  	_ =	shalt  }
0x71: {  	_ =	shalt  }
0x72: {  	_ =	shalt  }
0x73: {  	_ =	shalt  }
0x74: {  	_ =	shalt  }
0x75: {  	_ =	shalt  }
0x76: {  	_ =	shalt  }
0x77: {  	_ =	shalt  }
0x78: {  	_ =	shalt  }
0x79: {  	_ =	shalt  }
0x7a: {  	_ =	shalt  }
0x7b: {  	_ =	shalt  }
0x7c: {  	_ =	shalt  }
0x7d: {  	_ =	shalt  }
0x7e: {  	_ =	shalt  }
0x7f: {  	_ =	shalt  }
0x80: {  	_ =	shalt  }
0x81: {  	_ =	shalt  }
0x82: {  	_ =	shalt  }
0x83: {  	_ =	shalt  }
0x84: {  	_ =	shalt  }
0x85: {  	_ =	shalt  }
0x86: {  	_ =	shalt  }
0x87: {  	_ =	shalt  }
.Lfunc_end0:
.L_simem_size_0:
called_computation_lowered:
.L_overlay_start_0:
0x88: {  	s2 =	sld [smem:$0x3FD9]  }
0x89: {  	s3 =	sld [smem:$0x3FFE];
	_ =	sdelay $0x1  }
0x8a: {  	s1 =	srdreg.scid  }
0x8b: {  	s0 =	sand.u32 $0x1, s1  }
0x8c: {  	s17 =	sshll.u32 s0, $0xA;
	s2 =	sadd.s32 s3, s2  }
0x8d: {  	s2 =	sadd.s32 s2, s17  }
0x8e: {  	[smem:$0x3FC5] =	sst s2  }
0x8f: {  	_ = 	snop  }
0x90: {  	s2 =	sld [smem:$0x3FC7]  }
0x91: {  	s18 =	sld [smem:$0x3FD0];
	(tm) =	ssettm $0x1  }
0x92: {  	s4 =	sld [smem:$0x3FFB];
	_ =	sdelay $0x3  }
0x93: {  	_ =	strace s4  }
0x94: {  	s4 =	sld [smem:$0x3FFC];
	_ =	sdelay $0x3  }
0x95: {  	_ =	strace s4  }
0x96: {  	s4 =	sld [smem:$0x3FFD];
	_ =	sdelay $0x3  }
0x97: {  	_ =	strace s4  }
0x98: {  	_ =	strace $0x8FFFFFFF  }
0x99: {  	s19 =	sld [smem:$0x3FDB];
	_ =	sdelay $0x1  }
0x9a: {  	s5 =	simm.s32 $_scs_section_size  }
0x9b: {  	s6 =	simm.s32 $_size__tile_overlayer_lowered;
	s7 =	simm.s32 $_tile_overlayer_lowered  }
0x9c: {  	s22 =	simm.s32 $0x1BFF;
	s21 =	sshll.u32 s7, $0x1;
	s4 =	sadd.s32 s5, s19  }
0x9d: {  	s8 =	simm.s32 $0x0;
	s20 =	sshll.u32 s6, $0x1;
	s6 =	sadd.s32 s21, s4  }
0x9e: {  	[timem:s8], [sflag:s22] =	dma.local [hbm:s6], s20  }
0x9f: {  	_ =	swait.ge [sflag:s22], s20  }
0xa0: {  	s5 =	ssub.s32 $0x0, s20;
	[sflag:s22] =	ssyncset.done $0x0  }
0xa1: {  	[sflag:s22] =	ssyncadd.s32 s5;
	_ =	sdelay $0x1  }
0xa2: {  	s23 =	simm.s32 $0x1B8B  }
0xa3: {  	_ =	swait.ge [sflag:s23], $0x1  }
0xa4: {  	[sflag:s23] =	ssyncset.done $0x0  }
0xa5: {  	s25 =	simm.s32 $0x1B8E;
	s24 =	sld [smem:$0x3FFE];
	[sflag:s23] =	ssyncadd.s32 $0xFFFFFFFF  }
0xa6: {  	s26 =	simm.s32 $execute0_lowered;
	[smem:$0x3FD2] =	sst s25  }
0xa7: {  	s6 =	sshll.u32 s26, $0x1;
	_ =	strace $0x80000046;
	[dreg:$0x1] =	wrdreg $0xFFFFFFFF  }
0xa8: {  	s28 =	simm.s32 $_size_execute0_lowered;
	s4 =	sadd.s32 s4, s6;
	[dreg:$0x0] =	wrdreg $0x0  }
0xa9: {  	s6 =	sshll.u32 s28, $0x1;
	[dreg:$0x2] =	wrdreg s4  }
0xaa: {  	[dreg:$0x3] =	wrdreg s6  }
0xab: {  	[dreg:$0x4] =	wrdreg $0xC0  }
0xac: {  	_ =	task [dreg:s8], $0x5FFFF  }
0xad: {  	[dreg:$0x1] =	wrdreg $0xFFFFFFFF  }
0xae: {  	[dreg:$0x0] =	wrdreg $0x60  }
0xaf: {  	[dreg:$0x2] =	wrdreg s24  }
0xb0: {  	[dreg:$0x3] =	wrdreg s2  }
0xb1: {  	[dreg:$0x4] =	wrdreg s18  }
0xb2: {  	[dreg:$0x5] =	wrdreg $0x9  }
0xb3: {  	_ =	task.clear_ibuf [dreg:s8], $0x6FFFF;
	_ =	strace $0x90000046  }
0xb4: {  	s29 =	simm.s32 $0x9;
	_ =	strace $0x80000048  }
0xb5: {  	_ =	swait.ge [sflag:s29], $0x1  }
0xb6: {  	[sflag:s29] =	ssyncadd.s32 $0xFFFFFFFF  }
0xb7: {  	_ =	strace $0x90000048  }
0xb8: {  	_ =	sfence  }
0xb9: {  	s30 =	sld [smem:$0x0];
	_ =	sdelay $0x2  }
0xba: {  	s31 =	sshll.u32 s1, $0xD;
	s1 =	sshrl.u32 s1, $0x2  }
0xbb: {  	s3 =	sand.u32 $0x4000, s31;
	s1 =	sadd.s32 s1, s30  }
0xbc: {  	s0 =	sor.u32 s3, s0;
	s1 =	sshll.u32 s1, $0x11  }
0xbd: {  	s0 =	sor.u32 s1, s0  }
0xbe: {  	s0 =	sadd.s32 $0x8F2B, s0  }
0xbf: {  	[sflag:s0] =	ssyncadd.remote.s32 $0x1  }
0xc0: {  	_ =	sfence.sel $0xFFFF  }
0xc1: {  	[dreg:$0x0] =	wrdreg $0xFFFFFFFF;
	(pc) =	sbr.abs _section_cstart, $3  }
0xc2: {  	[dreg:$0x1] =	wrdreg $0xFFFFFFFF  }
0xc3: {  	_ =	task.clear_ibuf [dreg:s8], $0x2FFFF;
	_ =	strace $0x9FFFFFFF  }
0xc4: {  	(tm) =	ssettm $0x7FFFFFFF  }
0xc5: {  	_ =	shalt  }
tec
execute0_lowered:
.L_overlay_start_1:
0x0: {  	(tag) =	ssettag $0x1  }
0x1: {  	s0 =	rddreg [dreg:$0x0]  }
0x2: {  	s1 =	rddreg [dreg:$0x1]  }
0x3: {  	s2 =	rddreg [dreg:$0x2];
	s24 =	simm.s32 $0x0;
	s3 =	srdreg.scid  }
0x4: {  	s5 =	stileid.u32;
	[smem:$0x7FF] =	sst s24;
	s3 =	sand.u32 $0x1, s3  }
0x5: {  	s5 =	sshll.u32 s5, $0x9;
	s4 =	ssub.s32 $0x2, s3;
	s3 =	sshll.u32 s3, $0x8  }
0x6: {  	s0 =	sadd.s32 $0x600, s0;
	_ =	strace $0x80000047;
	s3 =	sor.u32 s3, s5  }
0x7: {  	[smem:$0x7F9] =	sst s0;
	s6 =	sshrl.u32 s4, $0x1;
	s1 =	sadd.s32 s1, s3  }
0x8: {  	s30 =	ssub.s32 s4, s6;
	s25 =	sadd.s32 s2, s3;
	[smem:$0x7FA] =	sst s1  }
0x9: {  	s0 =	smax.u32 s30, $0x1;
	[smem:$0x7FC] =	sst s25  }
0xa: {  	s31 =	sadd.s32 $0x40, s25;
	[smem:$0x7FB] =	sst s0  }
0xb: {  	s8 =	simm.s32 $0x800;
	s2 =	simm.s32 $0x0;
	[smem:$0x7FD] =	sst s31  }
.LBB2_1:
0xc: {  	s0 =	sld [smem:$0x7FA];
	_ =	sdelay $0x1  }
0xd: {  	s21 =	sld [smem:$0x7F9]  }
0xe: {  	[tilespmem:s24], [sflag:$0x1] =	stream.linear.gather [hbm4b:s0+s24], $0x800, $0x38;
	[tilespmem:$0xC480] =	vst v63  }
0xf: {  	[smem:$0x7F8] =	sst s2;
	s22 =	simm.s32 $0x1  }
0x10: {  	[tilespmem:s8], [sflag:$0x2] =	stream.linear.gather [hbm4b:s21+s24], $0x3C80, $0x38;
	[tilespmem:$0xC480] =	vst v63  }
0x11: {  	_ =	swait.ge [sflag:s22], $0x800  }
0x12: {  	[sflag:s22] =	ssyncset.done $0x0  }
0x13: {  	s3 =	simm.s32 $0x2;
	s1 =	sand.u32 $0x400, s24;
	[sflag:s22] =	ssyncadd.s32 $0xFFFFF800  }
0x14: {  	s23 =	sand.u32 $0x180, s24;
	s0 =	sand.u32 $0x60, s24;
	_ =	swait.ge [sflag:s3], $0x3C80  }
0x15: {  	s2 =	sor.u32 s23, s1;
	s1 =	sor.u32 $0x10, s0;
	[sflag:s3] =	ssyncset.done $0x0  }
0x16: {  	s25 =	sor.u32 s1, s2;
	[sflag:s3] =	ssyncadd.s32 $0xFFFFC380  }
0x17: {  	v2 =	vld [tilespmem:s25+$0x0];
	_ =	sdelay $0x4  }
0x18: {  	v3 =	vadd.s32 $0x3C1, v2  }
0x19: {  	v4 =	vadd.s32 $0x782, v2  }
0x1a: {  	s23 =	sor.u32 s0, s2;
	v5 =	vadd.s32 $0xB43, v2  }
0x1b: {  	v0 =	vld [tilespmem:s23+$0x0];
	v6 =	vadd.s32 $0xF04, v2  }
0x1c: {  	v7 =	vadd.s32 $0x12C5, v2;
	v1 =	vld.idx.msk [tilespmem:v2+s8+$0x0], $0xffff  }
0x1d: {  	v8 =	vadd.s32 $0x1686, v2;
	v3 =	vld.idx.msk [tilespmem:v3+s8+$0x0], $0xffff  }
0x1e: {  	v9 =	vadd.s32 $0x1A47, v2;
	v4 =	vld.idx.msk [tilespmem:v4+s8+$0x0], $0xffff  }
0x1f: {  	v10 =	vadd.s32 $0x1E08, v2;
	v5 =	vld.idx.msk [tilespmem:v5+s8+$0x0], $0xffff  }
0x20: {  	v11 =	vadd.s32 $0x384F, v2;
	v6 =	vld.idx.msk [tilespmem:v6+s8+$0x0], $0xffff  }
0x21: {  	v12 =	vadd.s32 $0x21C9, v2;
	v7 =	vld.idx.msk [tilespmem:v7+s8+$0x0], $0xffff  }
0x22: {  	v13 =	vld.idx.msk [tilespmem:v8+s8+$0x0], $0xffff  }
0x23: {  	v14 =	vadd.s32 $0x258A, v2;
	v8 =	vld.idx.msk [tilespmem:v9+s8+$0x0], $0xffff  }
0x24: {  	s4 =	sadd.s32 $0x5480, s2;
	s5 =	sadd.s32 $0x5C80, s2;
	s24 =	sadd.s32 $0x4C80, s2;
	v15 =	vadd.s32 $0x30CD, v2;
	v16 =	vld.idx.msk [tilespmem:v10+s8+$0x0], $0xffff  }
0x25: {  	s6 =	sadd.s32 $0x6480, s2;
	s7 =	sadd.s32 $0x6C80, s2;
	s14 =	sor.u32 s0, s24;
	v9 =	vadd.s32 $0x294B, v2;
	v11 =	vld.idx.msk [tilespmem:v11+s8+$0x0], $0xffff  }
0x26: {  	s9 =	sadd.s32 $0x7480, s2;
	s26 =	sor.u32 s0, s4;
	v10 =	vadd.s32 $0x2D0C, v2;
	v19 =	vld.idx.msk [tilespmem:v12+s8+$0x0], $0xffff;
	[dreg:$0x8] =	wrdreg s14  }
0x27: {  	s10 =	sadd.s32 $0x7C80, s2;
	s15 =	sor.u32 s0, s5;
	v2 =	vadd.s32 $0x348E, v2;
	[dreg:$0x7] =	wrdreg s26  }
0x28: {  	s11 =	sadd.s32 $0x8480, s2;
	s12 =	sadd.s32 $0x8C80, s2;
	v20 =	vld.idx.msk [tilespmem:v14+s8+$0x0], $0xffff;
	[dreg:$0x6] =	wrdreg s15  }
0x29: {  	s13 =	sadd.s32 $0x9480, s2;
	s17 =	sadd.s32 $0x9C80, s2;
	s18 =	sadd.s32 $0xA480, s2;
	v24 =	vld.idx.msk [tilespmem:v15+s8+$0x0], $0xffff  }
0x2a: {  	s19 =	sadd.s32 $0xAC80, s2;
	s20 =	sadd.s32 $0xB480, s2;
	s21 =	sadd.s32 $0xBC80, s2;
	v21 =	vld.idx.msk [tilespmem:v9+s8+$0x0], $0xffff  }
0x2b: {  	s30 =	sor.u32 s0, s6;
	s29 =	sor.u32 s0, s7;
	s2 =	sor.u32 s1, s21;
	v12 =	vadd.s32 $0x3C1, v0;
	v23 =	vld.idx.msk [tilespmem:v10+s8+$0x0], $0xffff  }
0x2c: {  	s28 =	sor.u32 s0, s9;
	s16 =	sor.u32 s0, s11;
	s4 =	sor.u32 s1, s4;
	v22 =	vadd.s32 $0xF04, v0;
	v25 =	vld.idx.msk [tilespmem:v2+s8+$0x0], $0xffff;
	[tilespmem:s2+$0x0] =	vst v11  }
0x2d: {  	s5 =	sor.u32 s1, s5;
	s3 =	sor.u32 s1, s24;
	v9 =	vadd.s32 $0x782, v0;
	[dreg:$0x5] =	wrdreg s16  }
0x2e: {  	s7 =	sor.u32 s1, s7;
	s9 =	sor.u32 s1, s9;
	s24 =	sor.u32 s0, s12;
	v14 =	vadd.s32 $0xB43, v0;
	[tilespmem:s3+$0x0] =	vst v3  }
0x2f: {  	s31 =	sor.u32 s1, s20;
	s22 =	sor.u32 s1, s6;
	v2 =	vadd.s32 $0x12C5, v0;
	[dreg:$0x4] =	wrdreg s24  }
0x30: {  	s6 =	sor.u32 s1, s13;
	v26 =	vadd.s32 $0x1686, v0;
	s26 =	sor.u32 s0, s10;
	s14 =	sor.u32 s1, s12;
	v17 =	vld.idx.msk [tilespmem:v12+s8+$0x0], $0xffff  }
0x31: {  	s12 =	sor.u32 s0, s13;
	s13 =	sor.u32 s1, s18;
	s15 =	sor.u32 s1, s10;
	[tilespmem:s4+$0x0] =	vst v4;
	v11 =	vld.idx.msk [tilespmem:v22+s8+$0x0], $0xffff  }
0x32: {  	s2 =	sor.u32 s1, s17;
	s16 =	sor.u32 s1, s11;
	s11 =	sor.u32 s0, s21;
	v10 =	vld.idx.msk [tilespmem:v9+s8+$0x0], $0xffff;
	[tilespmem:s5+$0x0] =	vst v5  }
0x33: {  	v18 =	vadd.s32 $0x1A47, v0;
	v15 =	vadd.s32 $0x21C9, v0;
	v3 =	vadd.s32 $0x348E, v0;
	s3 =	simm.s32 $0x100;
	s24 =	sor.u32 s0, s17;
	s17 =	sor.u32 s0, s18;
	v9 =	vld.idx.msk [tilespmem:v14+s8+$0x0], $0xffff;
	[tilespmem:s22+$0x0] =	vst v6  }
0x34: {  	s18 =	sor.u32 s0, s19;
	s4 =	sor.u32 s1, s19;
	s19 =	sor.u32 s0, s20;
	v4 =	vadd.s32 $0x2D0C, v0;
	v14 =	vadd.s32 $0x1E08, v0;
	v12 =	vld.idx.msk [tilespmem:v2+s8+$0x0], $0xffff;
	v5 =	vadd.s32 $0x30CD, v0;
	[tilespmem:s7+$0x0] =	vst v7  }
0x35: {  	s0 =	simm.s32 $0x0;
	s1 =	simm.s32 $0x20;
	v2 =	vadd.s32 $0x384F, v0;
	s5 =	simm.s32 $0x10;
	v6 =	vadd.s32 $0x258A, v0;
	v7 =	vadd.s32 $0x294B, v0;
	[tilespmem:s9+$0x0] =	vst v13;
	v13 =	vld.idx.msk [tilespmem:v26+s8+$0x0], $0xffff  }
.LBB2_2:
0x36: {  	[dreg:$0x1b] =	wrdreg s24  }
0x37: {  	[dreg:$0x19] =	wrdreg s30  }
0x38: {  	[dreg:$0x16] =	wrdreg s23  }
0x39: {  	[dreg:$0x13] =	wrdreg s29  }
0x3a: {  	[dreg:$0x10] =	wrdreg s19  }
0x3b: {  	[dreg:$0xf] =	wrdreg s28  }
0x3c: {  	[dreg:$0xe] =	wrdreg s12  }
0x3d: {  	[dreg:$0xd] =	wrdreg s26  }
0x3e: {  	[dreg:$0xc] =	wrdreg s18  }
0x3f: {  	[dreg:$0xb] =	wrdreg s17  }
0x40: {  	s7 =	sand.u32 $0x60, s1;
	s9 =	sand.u32 $0x400, s3;
	s10 =	sand.u32 $0x180, s5  }
0x41: {  	[dreg:$0x9] =	wrdreg s11;
	s11 =	sor.u32 s10, s9;
	s9 =	sor.u32 $0x10, s7  }
0x42: {  	s10 =	sor.u32 s7, s11;
	s30 =	sadd.s32 $0x4C80, s11;
	s17 =	sor.u32 s9, s11  }
0x43: {  	s26 =	sadd.s32 $0x5480, s11;
	[dreg:$0xa] =	wrdreg s10;
	s20 =	sor.u32 s7, s30  }
0x44: {  	s29 =	sadd.s32 $0x5C80, s11;
	s23 =	sor.u32 s7, s26;
	[dreg:$0x1c] =	wrdreg s20  }
0x45: {  	s28 =	sadd.s32 $0x6480, s11;
	[tilespmem:s15+$0x0] =	vst v8;
	v8 =	vld.idx.msk [tilespmem:v14+s8+$0x0], $0xffff;
	s24 =	sor.u32 s7, s29;
	[dreg:$0x1a] =	wrdreg s23  }
0x46: {  	[tilespmem:s16+$0x0] =	vst v16;
	s16 =	sadd.s32 $0x7480, s11;
	v14 =	vld [tilespmem:s10+$0x0];
	s10 =	sor.u32 s7, s28;
	[dreg:$0x1d] =	wrdreg s24  }
0x47: {  	[tilespmem:s14+$0x0] =	vst v19;
	s15 =	sadd.s32 $0x6C80, s11;
	s26 =	sor.u32 s9, s26;
	[dreg:$0x1e] =	wrdreg s10  }
0x48: {  	s18 =	sadd.s32 $0xB480, s11;
	v22 =	vld [tilespmem:s17+$0x0];
	[tilespmem:s4+$0x0] =	vst v24;
	s19 =	sor.u32 s7, s15;
	[dreg:$0x17] =	wrdreg s26  }
0x49: {  	[tilespmem:s31+$0x0] =	vst v25;
	s4 =	sor.u32 s7, s18;
	s31 =	sor.u32 s9, s18;
	s18 =	rddreg [dreg:$0xd]  }
0x4a: {  	s20 =	sor.u32 s7, s16;
	[smem:$0x7F5] =	sst s19  }
0x4b: {  	v29 =	vld.idx.msk [tilespmem:v18+s8+$0x0], $0xffff;
	[smem:$0x7F6] =	sst s20  }
0x4c: {  	v16 =	vld.idx.msk [tilespmem:v15+s8+$0x0], $0xffff;
	[tilespmem:s13+$0x0] =	vst v23;
	s13 =	sadd.s32 $0xA480, s11;
	s26 =	sor.u32 s9, s29;
	[smem:$0x7F7] =	sst s4  }
0x4d: {  	v19 =	vld.idx.msk [tilespmem:v6+s8+$0x0], $0xffff;
	s23 =	sor.u32 s7, s13;
	[dreg:$0x14] =	wrdreg s26  }
0x4e: {  	v31 =	vld.idx.msk [tilespmem:v2+s8+$0x0], $0xffff;
	[dreg:$0x1f] =	wrdreg s23  }
0x4f: {  	v35 =	vld.idx.msk [tilespmem:v0+s8+$0x0], $0xffff;
	s4 =	sor.u32 s9, s30;
	s23 =	rddreg [dreg:$0x8]  }
0x50: {  	[tilespmem:s6+$0x0] =	vst v20;
	v20 =	vld.idx.msk [tilespmem:v7+s8+$0x0], $0xffff;
	[dreg:$0x11] =	wrdreg s4  }
0x51: {  	[tilespmem:s2+$0x0] =	vst v21;
	v21 =	vld.idx.msk [tilespmem:v4+s8+$0x0], $0xffff;
	s26 =	sor.u32 s9, s28;
	s4 =	rddreg [dreg:$0x7]  }
0x52: {  	v23 =	vld.idx.msk [tilespmem:v5+s8+$0x0], $0xffff;
	[dreg:$0x12] =	wrdreg s26  }
0x53: {  	v24 =	vld.idx.msk [tilespmem:v3+s8+$0x0], $0xffff;
	[tilespmem:s18+$0x0] =	vst v29;
	s26 =	rddreg [dreg:$0x6]  }
0x54: {  	s12 =	sadd.s32 $0xAC80, s11;
	s18 =	smov.u32 s17;
	s17 =	sld [smem:$0x7F6];
	[tilespmem:s23+$0x0] =	vst v17  }
0x55: {  	[tilespmem:s26+$0x0] =	vst v9;
	s26 =	sor.u32 s9, s15;
	s15 =	sor.u32 s9, s16;
	s16 =	rddreg [dreg:$0x19]  }
0x56: {  	s23 =	sor.u32 s7, s12;
	[tilespmem:s4+$0x0] =	vst v10;
	s4 =	sor.u32 s9, s12;
	s12 =	rddreg [dreg:$0x1a]  }
0x57: {  	s22 =	sadd.s32 $0x7C80, s11;
	[dreg:$0x18] =	wrdreg s26  }
0x58: {  	s21 =	sadd.s32 $0x9480, s11;
	s6 =	sadd.s32 $0x8480, s11;
	[dreg:$0x15] =	wrdreg s15  }
0x59: {  	s19 =	sor.u32 s7, s22;
	s15 =	sor.u32 s9, s22;
	s22 =	rddreg [dreg:$0x13]  }
0x5a: {  	s10 =	sor.u32 s7, s21;
	s24 =	sor.u32 s7, s6;
	s26 =	rddreg [dreg:$0xf]  }
0x5b: {  	[tilespmem:s16+$0x0] =	vst v11;
	s16 =	sor.u32 s9, s6;
	s6 =	sor.u32 s9, s21;
	s21 =	rddreg [dreg:$0x1c]  }
0x5c: {  	[tilespmem:s26+$0x0] =	vst v13;
	s26 =	rddreg [dreg:$0x5]  }
0x5d: {  	v4 =	vadd.s32 $0x3C1, v22;
	[tilespmem:s22+$0x0] =	vst v12;
	s22 =	smov.u32 s21;
	s28 =	smov.u32 s17;
	s17 =	rddreg [dreg:$0xb]  }
0x5e: {  	v5 =	vadd.s32 $0x782, v22;
	s21 =	smov.u32 s12;
	[dreg:$0x8] =	wrdreg s22  }
0x5f: {  	v25 =	vadd.s32 $0xB43, v22;
	[dreg:$0x7] =	wrdreg s21  }
0x60: {  	[tilespmem:s25+$0x4480] =	vst v1;
	v34 =	vadd.s32 $0xF04, v22;
	s22 =	rddreg [dreg:$0x1d]  }
0x61: {  	v17 =	vadd.s32 $0x12C5, v22;
	s21 =	rddreg [dreg:$0x1e];
	v1 =	vld.idx.msk [tilespmem:v22+s8+$0x0], $0xffff  }
0x62: {  	v36 =	vadd.s32 $0x1686, v22;
	[tilespmem:s26+$0x0] =	vst v8;
	s26 =	smov.u32 s22;
	s22 =	rddreg [dreg:$0x4];
	v10 =	vld.idx.msk [tilespmem:v4+s8+$0x0], $0xffff  }
0x63: {  	v37 =	vadd.s32 $0x1A47, v22;
	s30 =	smov.u32 s21;
	s21 =	smov.u32 s24;
	s24 =	rddreg [dreg:$0x1b];
	v9 =	vld.idx.msk [tilespmem:v5+s8+$0x0], $0xffff  }
0x64: {  	v60 =	vadd.s32 $0x384F, v22;
	[dreg:$0x6] =	wrdreg s26;
	v11 =	vld.idx.msk [tilespmem:v25+s8+$0x0], $0xffff  }
0x65: {  	s14 =	sadd.s32 $0x8C80, s11;
	s2 =	sadd.s32 $0x9C80, s11;
	s26 =	sld [smem:$0x7F5];
	v25 =	vadd.s32 $0x1E08, v22;
	v12 =	vld.idx.msk [tilespmem:v34+s8+$0x0], $0xffff  }
0x66: {  	s25 =	sor.u32 s7, s14;
	s20 =	sor.u32 s7, s2;
	[dreg:$0x5] =	wrdreg s21;
	v13 =	vld.idx.msk [tilespmem:v17+s8+$0x0], $0xffff;
	v17 =	vadd.s32 $0x21C9, v22  }
0x67: {  	v62 =	vadd.s32 $0x258A, v22;
	[tilespmem:s22+$0x0] =	vst v16;
	s22 =	smov.u32 s25;
	s25 =	smov.u32 s18;
	s18 =	rddreg [dreg:$0x1f];
	v61 =	vld.idx.msk [tilespmem:v36+s8+$0x0], $0xffff  }
0x68: {  	v63 =	vadd.s32 $0x294B, v22;
	[tilespmem:s24+$0x0] =	vst v20;
	s24 =	smov.u32 s20;
	s20 =	rddreg [dreg:$0x10];
	v8 =	vld.idx.msk [tilespmem:v37+s8+$0x0], $0xffff  }
0x69: {  	v38 =	vadd.s32 $0x30CD, v22;
	s21 =	sld [smem:$0x7F7];
	v34 =	vld.idx.msk [tilespmem:v60+s8+$0x0], $0xffff  }
0x6a: {  	[tilespmem:s17+$0x0] =	vst v21;
	s29 =	smov.u32 s26;
	s26 =	smov.u32 s19;
	s19 =	rddreg [dreg:$0xe];
	v16 =	vld.idx.msk [tilespmem:v25+s8+$0x0], $0xffff;
	v25 =	vadd.s32 $0x2D0C, v22  }
0x6b: {  	[dreg:$0x4] =	wrdreg s22;
	[tilespmem:s19+$0x0] =	vst v19;
	v19 =	vld.idx.msk [tilespmem:v17+s8+$0x0], $0xffff;
	v17 =	vadd.s32 $0x348E, v22  }
0x6c: {  	v27 =	vadd.s32 $0x3C1, v14;
	s17 =	smov.u32 s18;
	s18 =	smov.u32 s23;
	[tilespmem:s20+$0x0] =	vst v24;
	s23 =	rddreg [dreg:$0x9];
	v20 =	vld.idx.msk [tilespmem:v62+s8+$0x0], $0xffff  }
0x6d: {  	s0 =	sadd.s32 $0x2, s0;
	s14 =	sor.u32 s9, s14;
	v26 =	vadd.s32 $0x782, v14;
	s20 =	rddreg [dreg:$0x16];
	v21 =	vld.idx.msk [tilespmem:v63+s8+$0x0], $0xffff;
	[tilespmem:s23+$0x0] =	vst v31  }
0x6e: {  	v30 =	vadd.s32 $0xB43, v14;
	s12 =	smov.u32 s10;
	s22 =	sadd.s32 $0xBC80, s11;
	v24 =	vld.idx.msk [tilespmem:v38+s8+$0x0], $0xffff;
	[tilespmem:s20+$0x4480] =	vst v35;
	s19 =	rddreg [dreg:$0xc]  }
0x6f: {  	v32 =	vadd.s32 $0x12C5, v14;
	s11 =	sor.u32 s7, s22;
	s10 =	sor.u32 s9, s22;
	s22 =	rddreg [dreg:$0x11];
	[tilespmem:s19+$0x0] =	vst v23;
	v23 =	vld.idx.msk [tilespmem:v25+s8+$0x0], $0xffff  }
0x70: {  	s2 =	sor.u32 s9, s2;
	s13 =	sor.u32 s9, s13;
	v33 =	vadd.s32 $0x1686, v14;
	s9 =	rddreg [dreg:$0x17];
	v25 =	vld.idx.msk [tilespmem:v17+s8+$0x0], $0xffff;
	[tilespmem:s10+$0x0] =	vst v34  }
0x71: {  	p0 =	slt.u32 s0, $0x3E;
	v28 =	vadd.s32 $0xF04, v14;
	s20 =	rddreg [dreg:$0x12];
	v17 =	vld.idx.msk [tilespmem:v27+s8+$0x0], $0xffff;
	[tilespmem:s22+$0x0] =	vst v10  }
.Ltmp0:
0x72: {  	s19 =	smov.u32 s21;
	s21 =	rddreg [dreg:$0xa];
	v10 =	vld.idx.msk [tilespmem:v26+s8+$0x0], $0xffff;
	[tilespmem:s9+$0x0] =	vst v9;
	(pc) =	sbr.rel @p0 .LBB2_2-.Ltmp0, $4  }
0x73: {  	v0 =	vmov v14;
	s23 =	smov.u32 s21;
	s21 =	rddreg [dreg:$0x18];
	v9 =	vld.idx.msk [tilespmem:v30+s8+$0x0], $0xffff;
	[tilespmem:s20+$0x0] =	vst v12  }
0x74: {  	v18 =	vadd.s32 $0x1A47, v0;
	v14 =	vadd.s32 $0x1E08, v0;
	v15 =	vadd.s32 $0x21C9, v0;
	s10 =	rddreg [dreg:$0x14];
	v12 =	vld.idx.msk [tilespmem:v32+s8+$0x0], $0xffff;
	[tilespmem:s21+$0x0] =	vst v13  }
0x75: {  	v6 =	vadd.s32 $0x258A, v0;
	v7 =	vadd.s32 $0x294B, v0;
	v3 =	vadd.s32 $0x348E, v0;
	v13 =	vld.idx.msk [tilespmem:v33+s8+$0x0], $0xffff;
	s22 =	rddreg [dreg:$0x15];
	[tilespmem:s10+$0x0] =	vst v11  }
0x76: {  	s1 =	sadd.s32 $0x20, s1;
	s3 =	sadd.s32 $0x100, s3;
	s5 =	sadd.s32 $0x10, s5;
	v2 =	vadd.s32 $0x384F, v0;
	v4 =	vadd.s32 $0x2D0C, v0;
	v5 =	vadd.s32 $0x30CD, v0;
	v11 =	vld.idx.msk [tilespmem:v28+s8+$0x0], $0xffff;
	[tilespmem:s22+$0x0] =	vst v61  }
0x77: {  	_ =	sdelay $0x2  }
0x78: {  	[tilespmem:s15+$0x0] =	vst v8  }
0x79: {  	v18 =	vld.idx.msk [tilespmem:v18+s8+$0x0], $0xffff;
	[tilespmem:s16+$0x0] =	vst v16  }
0x7a: {  	v62 =	vld.idx.msk [tilespmem:v14+s8+$0x0], $0xffff;
	[tilespmem:s14+$0x0] =	vst v19  }
0x7b: {  	v63 =	vld.idx.msk [tilespmem:v15+s8+$0x0], $0xffff;
	[tilespmem:s6+$0x0] =	vst v20  }
0x7c: {  	v6 =	vld.idx.msk [tilespmem:v6+s8+$0x0], $0xffff;
	[tilespmem:s2+$0x0] =	vst v21  }
0x7d: {  	v7 =	vld.idx.msk [tilespmem:v7+s8+$0x0], $0xffff;
	[tilespmem:s13+$0x0] =	vst v23  }
0x7e: {  	v4 =	vld.idx.msk [tilespmem:v4+s8+$0x0], $0xffff;
	[tilespmem:s4+$0x0] =	vst v24  }
0x7f: {  	v5 =	vld.idx.msk [tilespmem:v5+s8+$0x0], $0xffff;
	[tilespmem:s31+$0x0] =	vst v25  }
0x80: {  	v3 =	vld.idx.msk [tilespmem:v3+s8+$0x0], $0xffff;
	[tilespmem:s25+$0x4480] =	vst v1  }
0x81: {  	v2 =	vld.idx.msk [tilespmem:v2+s8+$0x0], $0xffff;
	s0 =	rddreg [dreg:$0x8]  }
0x82: {  	v0 =	vld.idx.msk [tilespmem:v0+s8+$0x0], $0xffff;
	[tilespmem:s0+$0x0] =	vst v17  }
0x83: {  	s0 =	rddreg [dreg:$0x7]  }
0x84: {  	[tilespmem:s0+$0x0] =	vst v10  }
0x85: {  	s0 =	rddreg [dreg:$0x6]  }
0x86: {  	[tilespmem:s0+$0x0] =	vst v9  }
0x87: {  	[tilespmem:s30+$0x0] =	vst v11  }
0x88: {  	[tilespmem:s29+$0x0] =	vst v12  }
0x89: {  	[tilespmem:s28+$0x0] =	vst v13  }
0x8a: {  	[tilespmem:s26+$0x0] =	vst v18  }
0x8b: {  	s0 =	rddreg [dreg:$0x5]  }
0x8c: {  	[tilespmem:s0+$0x0] =	vst v62  }
0x8d: {  	s0 =	rddreg [dreg:$0x4]  }
0x8e: {  	[tilespmem:s0+$0x0] =	vst v63  }
0x8f: {  	[tilespmem:s12+$0x0] =	vst v6  }
0x90: {  	[tilespmem:s24+$0x0] =	vst v7  }
0x91: {  	[tilespmem:s17+$0x0] =	vst v4  }
0x92: {  	[tilespmem:s18+$0x0] =	vst v5  }
0x93: {  	[tilespmem:s19+$0x0] =	vst v3  }
0x94: {  	[tilespmem:s11+$0x0] =	vst v2  }
0x95: {  	[tilespmem:s23+$0x4480] =	vst v0  }
0x96: {  	s25 =	sld [smem:$0x7FC];
	_ =	sdelay $0x2  }
0x97: {  	s30 =	simm.s32 $0x4480;
	s24 =	simm.s32 $0x0;
	s31 =	sadd.s32 $0x0, s25  }
0x98: {  	[hbm4b:s31+s24] =	stream.linear.scatter [tilespmem:s30], [sflag:$0x3], $0x200, $0x38;
	[tilespmem:$0xC480] =	vst v63  }
0x99: {  	s1 =	simm.s32 $0x4880;
	s0 =	simm.s32 $0x2000;
	s2 =	sadd.s32 $0x80, s31  }
.LBB2_4:
0x9a: {  	[hbm4b:s2+s24] =	stream.linear.scatter [tilespmem:s1], [sflag:$0x3], $0x200, $0x38;
	[tilespmem:$0xC480] =	vst v63  }
0x9b: {  	s1 =	smov.u32 s0;
	p0 =	sne.s32 s0, $0x1E000  }
.Ltmp1:
0x9c: {  	s0 =	sadd.s32 $0x2000, s0;
	(pc) =	sbr.rel @p0 .LBB2_4-.Ltmp1, $4  }
0x9d: {  	s2 =	sshra.s32 s1, $0x2  }
0x9e: {  	s4 =	sadd.s32 s1, s25;
	s3 =	sadd.s32 $0x4480, s2  }
0x9f: {  	[hbm4b:s4+s24] =	stream.linear.scatter [tilespmem:s3], [sflag:$0x3], $0x200, $0x38;
	[tilespmem:$0xC480] =	vst v63  }
0xa0: {  	s1 =	sadd.s32 $0x4880, s2;
	s2 =	sadd.s32 $0x80, s4  }
0xa1: {  	[hbm4b:s2+s24] =	stream.linear.scatter [tilespmem:s1], [sflag:$0x3], $0x200, $0x38;
	[tilespmem:$0xC480] =	vst v63  }
0xa2: {  	s0 =	simm.s32 $0x3E  }
0xa3: {  	s1 =	simm.s32 $0x400;
	s3 =	simm.s32 $0x2000;
	s4 =	simm.s32 $0x200  }
.LBB2_6:
0xa4: {  	s2 =	sand.u32 $0x400, s3;
	s6 =	sand.u32 $0x380, s4  }
0xa5: {  	s5 =	sand.u32 $0x60, s1;
	s6 =	sor.u32 s6, s2  }
0xa6: {  	s2 =	sor.u32 $0x10, s5;
	s10 =	sor.u32 s5, s6  }
0xa7: {  	s7 =	sor.u32 s2, s6;
	v0 =	vld [tilespmem:s10+$0x0]  }
0xa8: {  	v14 =	vld [tilespmem:s7+$0x0];
	_ =	sdelay $0x3  }
0xa9: {  	v1 =	vadd.s32 $0x3C1, v0  }
0xaa: {  	v2 =	vadd.s32 $0x782, v0  }
0xab: {  	v3 =	vadd.s32 $0xB43, v0  }
0xac: {  	v4 =	vadd.s32 $0xF04, v0;
	v5 =	vld.idx.msk [tilespmem:v0+s8+$0x0], $0xffff  }
0xad: {  	v6 =	vadd.s32 $0x12C5, v0;
	v39 =	vld.idx.msk [tilespmem:v14+s8+$0x0], $0xffff  }
0xae: {  	v7 =	vadd.s32 $0x1686, v0;
	v1 =	vld.idx.msk [tilespmem:v1+s8+$0x0], $0xffff  }
0xaf: {  	v8 =	vadd.s32 $0x1A47, v0;
	v2 =	vld.idx.msk [tilespmem:v2+s8+$0x0], $0xffff  }
0xb0: {  	v9 =	vadd.s32 $0x1E08, v0;
	v3 =	vld.idx.msk [tilespmem:v3+s8+$0x0], $0xffff  }
0xb1: {  	v10 =	vadd.s32 $0x21C9, v0;
	v4 =	vld.idx.msk [tilespmem:v4+s8+$0x0], $0xffff  }
0xb2: {  	v11 =	vadd.s32 $0x258A, v0;
	v6 =	vld.idx.msk [tilespmem:v6+s8+$0x0], $0xffff  }
0xb3: {  	v12 =	vadd.s32 $0x294B, v0;
	v7 =	vld.idx.msk [tilespmem:v7+s8+$0x0], $0xffff  }
0xb4: {  	v13 =	vadd.s32 $0x2D0C, v0;
	v8 =	vld.idx.msk [tilespmem:v8+s8+$0x0], $0xffff  }
0xb5: {  	v15 =	vadd.s32 $0x30CD, v0;
	v9 =	vld.idx.msk [tilespmem:v9+s8+$0x0], $0xffff  }
0xb6: {  	v16 =	vadd.s32 $0x348E, v0;
	v10 =	vld.idx.msk [tilespmem:v10+s8+$0x0], $0xffff  }
0xb7: {  	v17 =	vadd.s32 $0x3C1, v14;
	v11 =	vld.idx.msk [tilespmem:v11+s8+$0x0], $0xffff  }
0xb8: {  	v18 =	vadd.s32 $0x782, v14;
	v12 =	vld.idx.msk [tilespmem:v12+s8+$0x0], $0xffff  }
0xb9: {  	v19 =	vadd.s32 $0xB43, v14;
	v13 =	vld.idx.msk [tilespmem:v13+s8+$0x0], $0xffff  }
0xba: {  	v20 =	vadd.s32 $0xF04, v14;
	v15 =	vld.idx.msk [tilespmem:v15+s8+$0x0], $0xffff  }
0xbb: {  	v21 =	vadd.s32 $0x12C5, v14;
	v16 =	vld.idx.msk [tilespmem:v16+s8+$0x0], $0xffff  }
0xbc: {  	v41 =	vadd.s32 $0x1686, v14;
	v40 =	vld.idx.msk [tilespmem:v17+s8+$0x0], $0xffff  }
0xbd: {  	v43 =	vadd.s32 $0x1A47, v14;
	v42 =	vld.idx.msk [tilespmem:v18+s8+$0x0], $0xffff  }
0xbe: {  	v45 =	vadd.s32 $0x1E08, v14;
	v44 =	vld.idx.msk [tilespmem:v19+s8+$0x0], $0xffff  }
0xbf: {  	v47 =	vadd.s32 $0x21C9, v14;
	v46 =	vld.idx.msk [tilespmem:v20+s8+$0x0], $0xffff  }
0xc0: {  	v49 =	vadd.s32 $0x258A, v14;
	v48 =	vld.idx.msk [tilespmem:v21+s8+$0x0], $0xffff  }
0xc1: {  	v51 =	vadd.s32 $0x294B, v14;
	v50 =	vld.idx.msk [tilespmem:v41+s8+$0x0], $0xffff  }
0xc2: {  	v53 =	vadd.s32 $0x2D0C, v14;
	v52 =	vld.idx.msk [tilespmem:v43+s8+$0x0], $0xffff  }
0xc3: {  	v55 =	vadd.s32 $0x30CD, v14;
	v54 =	vld.idx.msk [tilespmem:v45+s8+$0x0], $0xffff  }
0xc4: {  	v57 =	vadd.s32 $0x348E, v14;
	v56 =	vld.idx.msk [tilespmem:v47+s8+$0x0], $0xffff  }
0xc5: {  	v0 =	vadd.s32 $0x384F, v0;
	v58 =	vld.idx.msk [tilespmem:v49+s8+$0x0], $0xffff  }
0xc6: {  	v14 =	vadd.s32 $0x384F, v14;
	v59 =	vld.idx.msk [tilespmem:v51+s8+$0x0], $0xffff  }
0xc7: {  	v60 =	vld.idx.msk [tilespmem:v53+s8+$0x0], $0xffff  }
0xc8: {  	v61 =	vld.idx.msk [tilespmem:v55+s8+$0x0], $0xffff  }
0xc9: {  	v62 =	vld.idx.msk [tilespmem:v57+s8+$0x0], $0xffff  }
0xca: {  	s9 =	sadd.s32 $0x4C80, s6;
	v0 =	vld.idx.msk [tilespmem:v0+s8+$0x0], $0xffff;
	[tilespmem:s10+$0x4480] =	vst v5  }
0xcb: {  	s11 =	sor.u32 s5, s9;
	s10 =	sadd.s32 $0x5480, s6;
	v63 =	vld.idx.msk [tilespmem:v14+s8+$0x0], $0xffff;
	[tilespmem:s7+$0x4480] =	vst v39  }
0xcc: {  	s15 =	sadd.s32 $0x7480, s6;
	s12 =	sor.u32 s5, s10;
	[tilespmem:s11+$0x0] =	vst v1  }
0xcd: {  	s16 =	sadd.s32 $0x7C80, s6;
	s21 =	sor.u32 s5, s15;
	[tilespmem:s12+$0x0] =	vst v2  }
0xce: {  	s17 =	sadd.s32 $0x8480, s6;
	s22 =	sor.u32 s5, s16;
	[tilespmem:s21+$0x0] =	vst v7  }
0xcf: {  	s18 =	sadd.s32 $0x8C80, s6;
	s23 =	sor.u32 s5, s17;
	[tilespmem:s22+$0x0] =	vst v8  }
0xd0: {  	s19 =	sadd.s32 $0x9480, s6;
	s25 =	sor.u32 s5, s18;
	[tilespmem:s23+$0x0] =	vst v9  }
0xd1: {  	s26 =	sor.u32 s5, s19;
	[tilespmem:s25+$0x0] =	vst v10  }
0xd2: {  	s9 =	sor.u32 s2, s9;
	[tilespmem:s26+$0x0] =	vst v11  }
0xd3: {  	s10 =	sor.u32 s2, s10;
	[tilespmem:s9+$0x0] =	vst v40  }
0xd4: {  	s15 =	sor.u32 s2, s15;
	[tilespmem:s10+$0x0] =	vst v42  }
0xd5: {  	s16 =	sor.u32 s2, s16;
	[tilespmem:s15+$0x0] =	vst v50  }
0xd6: {  	s17 =	sor.u32 s2, s17;
	[tilespmem:s16+$0x0] =	vst v52  }
0xd7: {  	[tilespmem:s17+$0x0] =	vst v54;
	s25 =	sor.u32 s2, s18  }
0xd8: {  	s11 =	sadd.s32 $0x5C80, s6;
	s26 =	sor.u32 s2, s19;
	[tilespmem:s25+$0x0] =	vst v56  }
0xd9: {  	s12 =	sadd.s32 $0x6480, s6;
	s13 =	sor.u32 s5, s11;
	[tilespmem:s26+$0x0] =	vst v58  }
0xda: {  	s21 =	sadd.s32 $0xA480, s6;
	s14 =	sor.u32 s5, s12;
	[tilespmem:s13+$0x0] =	vst v3  }
0xdb: {  	s22 =	sadd.s32 $0xAC80, s6;
	s29 =	sor.u32 s5, s21;
	[tilespmem:s14+$0x0] =	vst v4  }
0xdc: {  	s23 =	sadd.s32 $0xB480, s6;
	s30 =	sor.u32 s5, s22;
	[tilespmem:s29+$0x0] =	vst v13  }
0xdd: {  	s31 =	sor.u32 s5, s23;
	[tilespmem:s30+$0x0] =	vst v15  }
0xde: {  	s11 =	sor.u32 s2, s11;
	[tilespmem:s31+$0x0] =	vst v16  }
0xdf: {  	s12 =	sor.u32 s2, s12;
	[tilespmem:s11+$0x0] =	vst v44  }
0xe0: {  	[tilespmem:s12+$0x0] =	vst v46;
	s29 =	sor.u32 s2, s21  }
0xe1: {  	s30 =	sor.u32 s2, s22;
	[tilespmem:s29+$0x0] =	vst v60  }
0xe2: {  	s13 =	sadd.s32 $0x6C80, s6;
	s31 =	sor.u32 s2, s23;
	[tilespmem:s30+$0x0] =	vst v61  }
0xe3: {  	s0 =	sadd.s32 $0x2, s0;
	s20 =	sor.u32 s5, s13;
	[tilespmem:s31+$0x0] =	vst v62  }
0xe4: {  	p0 =	slt.u32 s0, $0x7E;
	s14 =	sor.u32 s2, s13;
	[tilespmem:s20+$0x0] =	vst v6;
	s20 =	sadd.s32 $0x9C80, s6  }
.Ltmp2:
0xe5: {  	s6 =	sadd.s32 $0xBC80, s6;
	[tilespmem:s14+$0x0] =	vst v48;
	s28 =	sor.u32 s5, s20;
	(pc) =	sbr.rel @p0 .LBB2_6-.Ltmp2, $4  }
0xe6: {  	s5 =	sor.u32 s5, s6;
	[tilespmem:s28+$0x0] =	vst v12  }
0xe7: {  	[tilespmem:s5+$0x0] =	vst v0;
	s28 =	sor.u32 s2, s20  }
0xe8: {  	s2 =	sor.u32 s2, s6;
	[tilespmem:s28+$0x0] =	vst v59  }
0xe9: {  	s1 =	sadd.s32 $0x20, s1;
	s3 =	sadd.s32 $0x100, s3;
	s4 =	sadd.s32 $0x10, s4;
	[tilespmem:s2+$0x0] =	vst v63  }
0xea: {  	s0 =	simm.s32 $0x3  }
0xeb: {  	_ =	swait.ge [sflag:s0], $0x4000  }
0xec: {  	s5 =	sld [smem:$0x7FD];
	_ =	sdelay $0x1  }
0xed: {  	[sflag:s0] =	ssyncset.done $0x0  }
0xee: {  	s31 =	simm.s32 $0x4680;
	[sflag:s0] =	ssyncadd.s32 $0xFFFFC000;
	s2 =	sadd.s32 $0x0, s5  }
0xef: {  	[hbm4b:s2+s24] =	stream.linear.scatter [tilespmem:s31], [sflag:$0x4], $0x200, $0x38;
	[tilespmem:$0xC480] =	vst v63  }
0xf0: {  	s1 =	simm.s32 $0x4A80;
	s0 =	simm.s32 $0x2000;
	s2 =	sadd.s32 $0x80, s2  }
.LBB2_8:
0xf1: {  	[hbm4b:s2+s24] =	stream.linear.scatter [tilespmem:s1], [sflag:$0x4], $0x200, $0x38;
	[tilespmem:$0xC480] =	vst v63  }
0xf2: {  	s1 =	smov.u32 s0;
	p0 =	sne.s32 s0, $0x1E000  }
.Ltmp3:
0xf3: {  	s0 =	sadd.s32 $0x2000, s0;
	(pc) =	sbr.rel @p0 .LBB2_8-.Ltmp3, $4  }
0xf4: {  	s2 =	sshra.s32 s1, $0x2  }
0xf5: {  	s4 =	sadd.s32 s1, s5;
	s3 =	sadd.s32 $0x4680, s2  }
0xf6: {  	[hbm4b:s4+s24] =	stream.linear.scatter [tilespmem:s3], [sflag:$0x4], $0x200, $0x38;
	[tilespmem:$0xC480] =	vst v63  }
0xf7: {  	s1 =	sadd.s32 $0x4A80, s2;
	s2 =	sadd.s32 $0x80, s4  }
0xf8: {  	[hbm4b:s2+s24] =	stream.linear.scatter [tilespmem:s1], [sflag:$0x4], $0x200, $0x38;
	[tilespmem:$0xC480] =	vst v63  }
0xf9: {  	s30 =	simm.s32 $0x4  }
0xfa: {  	_ =	swait.ge [sflag:s30], $0x4000  }
0xfb: {  	s31 =	sld [smem:$0x7F8]  }
0xfc: {  	s0 =	sld [smem:$0x7FB];
	_ =	sdelay $0x1  }
0xfd: {  	s2 =	sadd.s32 $0x1, s31  }
0xfe: {  	p0 =	sne.s32 s2, s0  }
.Ltmp4:
0xff: {  	_ = 	snop;
	(pc) =	sbr.rel @p0 .LBB2_1-.Ltmp4, $3  }
0x100: {  	_ =	sdelay $0x1  }
0x101: {  	[sflag:s30] =	ssyncset.done $0x0  }
0x102: {  	[sflag:s30] =	ssyncadd.s32 $0xFFFFC000  }
0x103: {  	_ =	sfence.sel $0x180000  }
0x104: {  	[bflag:$0x0] =	sbarrier.arrive $0xFFFF  }
0x105: {  	_ =	strace $0x90000047  }
0x106: {  	s0 =	stileid.u32;
	[bflag:$0x2] =	sbarrier.arrive $0xFFFF  }
0x107: {  	p0 =	sne.s32 s0, $0x0;
	s0 =	rddreg [dreg:$0x3]  }
0x108: {  	s0 =	sadd.s32 @!p0 $0x100000, s0  }
0x109: {  	[sflag:s0] =	ssyncadd.tile.s32 @!p0 $0x1;
	_ =	shalt  }
.Lfunc_end2:
_tile_overlayer_lowered:
.L_overlay_start_2:
0x10a: {  	(tag) =	ssettag $0x2  }
0x10b: {  	s0 =	rddreg [dreg:$0x0];
	s2 =	stileid.u32  }
0x10c: {  	s1 =	rddreg [dreg:$0x1];
	p0 =	sne.s32 s2, $0x0  }
0x10d: {  	s3 =	rddreg [dreg:$0x2];
	[bflag:$0x3] =	sbarrier.arrive $0xFFFF;
	s2 =	simm.s32 @!p0 $0x1C04  }
0x10e: {  	[timem:s3], [sflag:s2] =	dma.local @!p0 [hbm:s0], s1  }
0x10f: {  	s0 =	simm.s32 @!p0 $0x4  }
0x110: {  	_ =	swait.ge @!p0 [sflag:s0], s1  }
0x111: {  	s1 =	ssub.s32 @!p0 $0x0, s1;
	[sflag:s0] =	ssyncset.done @!p0 $0x0  }
0x112: {  	[sflag:s0] =	ssyncadd.s32 @!p0 s1  }
0x113: {  	[bflag:$0x3] =	sbarrier.arrive $0xFFFF  }
0x114: {  	_ =	shalt  }

</sc_bundles>
